<compile_context>
chip_gen: v7x
topology: tpu7x:2x2x1
jax: 0.10.2.dev20260603
libtpu: 0.0.44.dev20260713+nightly
codegen_flags: <defaults>
</compile_context>

<pallas_src>
import functools

import jax
import jax.numpy as jnp
from jax import lax
from jax.experimental import pallas as pl
from jax.experimental.pallas import tpu as pltpu
from jax.experimental.pallas import tpu_sc as plsc

_S = 20
_B = 4096
_H = 128

_NC = 2
_NS = 16
_NW = _NC * _NS
_GCHUNK = 128


def _sc_gather(idx3, table):
    nw, cpw, g = idx3.shape
    h = table.shape[1]
    total = nw * cpw * g
    mesh = plsc.VectorSubcoreMesh(core_axis_name="c", subcore_axis_name="s")

    nbuf = 4

    @functools.partial(
        pl.kernel,
        mesh=mesh,
        out_type=jax.ShapeDtypeStruct((total, h), jnp.float32),
        scratch_types=[
            pltpu.VMEM((cpw, g), jnp.int32),
            pltpu.VMEM((nbuf, g, h), jnp.float32),
            [pltpu.SemaphoreType.DMA] * nbuf,
            [pltpu.SemaphoreType.DMA] * nbuf,
        ],
    )
    def gather_kernel(idx_hbm, table_hbm, out_hbm, idx_v, rows_v, gsems, osems):
        wid = lax.axis_index("s") * _NC + lax.axis_index("c")
        base = wid * (cpw * g)
        pltpu.sync_copy(idx_hbm.at[wid], idx_v)
        gathers = [None] * cpw
        scatters = [None] * cpw

        def start_gather(j):
            gathers[j] = pltpu.async_copy(
                table_hbm.at[idx_v.at[j]], rows_v.at[j % nbuf], gsems[j % nbuf])

        for j in range(min(nbuf - 1, cpw)):
            start_gather(j)
        for j in range(cpw):
            nxt = j + nbuf - 1
            if nxt < cpw:
                prev = nxt - nbuf
                if prev >= 0:
                    scatters[prev].wait()
                    scatters[prev] = None
                start_gather(nxt)
            gathers[j].wait()
            scatters[j] = pltpu.async_copy(
                rows_v.at[j % nbuf], out_hbm.at[pl.ds(base + j * g, g)],
                osems[j % nbuf])
        for j in range(cpw):
            if scatters[j] is not None:
                scatters[j].wait()

    return gather_kernel(idx3, table)


def _gru_body(emb_ref, h0_ref, wrz_ref, win_ref, whn_ref, brz_ref,
              bin_ref, bhn_ref, out_ref, hfin_ref, h_scr):
    s = pl.program_id(1)

    @pl.when(s == 0)
    def _():
        h_scr[...] = h0_ref[0]

    xt = emb_ref[0].astype(jnp.bfloat16)
    h = h_scr[...]
    hb = h.astype(jnp.bfloat16)
    cat = jnp.concatenate([xt, hb], axis=1)
    rz = jnp.dot(cat, wrz_ref[...], preferred_element_type=jnp.float32) + brz_ref[...]
    i_n = jnp.dot(xt, win_ref[...], preferred_element_type=jnp.float32) + bin_ref[...]
    h_n = jnp.dot(hb, whn_ref[...], preferred_element_type=jnp.float32) + bhn_ref[...]
    r = 0.5 + 0.5 * jnp.tanh(0.5 * rz[:, :_H])
    z = 0.5 + 0.5 * jnp.tanh(0.5 * rz[:, _H:])
    n = jnp.tanh(i_n + r * h_n)
    h_new = n + z * (h - n)
    h_scr[...] = h_new
    out_ref[0] = h_new

    @pl.when(s == _S - 1)
    def _():
        hfin_ref[0] = h_new


def _tc_gru(embedded, hidden, wrz, win, whn, brz, bin_, bhn, block_b):
    nb = _B // block_b
    grid = (nb, _S)
    return pl.pallas_call(
        _gru_body,
        grid=grid,
        in_specs=[
            pl.BlockSpec((1, block_b, _H), lambda b, s: (s, b, 0)),
            pl.BlockSpec((1, block_b, _H), lambda b, s: (0, b, 0)),
            pl.BlockSpec((2 * _H, 2 * _H), lambda b, s: (0, 0)),
            pl.BlockSpec((_H, _H), lambda b, s: (0, 0)),
            pl.BlockSpec((_H, _H), lambda b, s: (0, 0)),
            pl.BlockSpec((1, 2 * _H), lambda b, s: (0, 0)),
            pl.BlockSpec((1, _H), lambda b, s: (0, 0)),
            pl.BlockSpec((1, _H), lambda b, s: (0, 0)),
        ],
        out_specs=[
            pl.BlockSpec((1, block_b, _H), lambda b, s: (s, b, 0)),
            pl.BlockSpec((1, block_b, _H), lambda b, s: (0, b, 0)),
        ],
        out_shape=[
            jax.ShapeDtypeStruct((_S, _B, _H), jnp.float32),
            jax.ShapeDtypeStruct((1, _B, _H), jnp.float32),
        ],
        scratch_shapes=[pltpu.VMEM((block_b, _H), jnp.float32)],
        compiler_params=pltpu.CompilerParams(
            dimension_semantics=("parallel", "arbitrary"),
        ),
    )(embedded, hidden, wrz, win, whn, brz, bin_, bhn)


def kernel(x, hidden, emb, W_ih, W_hh, b_ih, b_hh):
    cpw = (_S * _B) // (_NW * _GCHUNK)
    idx3 = x.reshape(_NW, cpw, _GCHUNK)
    embedded_flat = _sc_gather(idx3, emb)
    embedded = embedded_flat.reshape(_S, _B, _H)
    wih_t = W_ih.T
    whh_t = W_hh.T
    wrz = jnp.concatenate(
        [wih_t[:, :2 * _H], whh_t[:, :2 * _H]], axis=0).astype(jnp.bfloat16)
    win = wih_t[:, 2 * _H:].astype(jnp.bfloat16)
    whn = whh_t[:, 2 * _H:].astype(jnp.bfloat16)
    brz = (b_ih[:2 * _H] + b_hh[:2 * _H]).reshape(1, -1)
    bin_ = b_ih[2 * _H:].reshape(1, -1)
    bhn = b_hh[2 * _H:].reshape(1, -1)
    outputs, h_final = _tc_gru(
        embedded, hidden, wrz, win, whn, brz, bin_, bhn, block_b=4096)
    return outputs, h_final

# --- scband reference (transcript-rebuilt; emitter-appended) ---
"""Pipeline reference for scband-detector-62165356642312 (READ-ONLY COPY).

The authoritative reference and input builder live on the scoring server;
editing this copy changes nothing except your own understanding.
"""

import jax, jax.numpy as jnp
import numpy as np

V = 1000000
H = 128
S = 20
B = 4096


def setup_inputs(seed: int = 0) -> dict:
    key = jax.random.key(seed)
    ks = jax.random.split(key, 6)
    x = jax.random.randint(ks[0], (S, B), 0, V, dtype=jnp.int32)
    hidden = jnp.zeros((1, B, H), dtype=jnp.float32)
    emb = jax.random.normal(ks[1], (V, H), dtype=jnp.float32) * 0.02
    W_ih = jax.random.normal(ks[2], (3 * H, H), dtype=jnp.float32) * 0.05
    W_hh = jax.random.normal(ks[3], (3 * H, H), dtype=jnp.float32) * 0.05
    b_ih = jax.random.normal(ks[4], (3 * H,), dtype=jnp.float32) * 0.01
    b_hh = jax.random.normal(ks[5], (3 * H,), dtype=jnp.float32) * 0.01
    return {"x": x, "hidden": hidden, "emb": emb, "W_ih": W_ih, "W_hh": W_hh, "b_ih": b_ih, "b_hh": b_hh}


def _gru_cell(h, xt, W_ih, W_hh, b_ih, b_hh):
    # PyTorch nn.GRU cell semantics
    gi = xt @ W_ih.T + b_ih
    gh = h @ W_hh.T + b_hh
    i_r, i_z, i_n = jnp.split(gi, 3, axis=-1)
    h_r, h_z, h_n = jnp.split(gh, 3, axis=-1)
    r = jax.nn.sigmoid(i_r + h_r)
    z = jax.nn.sigmoid(i_z + h_z)
    n = jnp.tanh(i_n + r * h_n)
    return (1.0 - z) * n + z * h


def reference(x, hidden, emb, W_ih, W_hh, b_ih, b_hh):
    # embedding lookup (SparseCore gather): [S, B] -> [S, B, H]
    embedded = jnp.take(emb, x, axis=0)
    h0 = hidden[0]

    def step(h, xt):
        h_new = _gru_cell(h, xt, W_ih, W_hh, b_ih, b_hh)
        return h_new, h_new

    h_final, outputs = jax.lax.scan(step, h0, embedded)
    return (outputs, h_final[None, :, :])

if __name__ == "__main__":
    import jax
    _d = setup_inputs()
    print(jax.jit(kernel)(*tuple(_d.values())))

</pallas_src>

<mosaic_0001>
#map = affine_map<(d0, d1) -> (0, 0, 0)>
#map1 = affine_map<(d0, d1) -> (0, 0)>
module attributes {stable_mosaic.version = 14 : i64} {
  func.func @gather_kernel(%arg0: i32, %arg1: i32, %arg2: memref<32x20x128xi32, #tpu.memory_space<hbm>>, %arg3: memref<1000000x128xf32, #tpu.memory_space<hbm>>, %arg4: memref<81920x128xf32, #tpu.memory_space<hbm>>, %arg5: memref<20x128xi32, #tpu.memory_space<vmem>>, %arg6: memref<4x128x128xf32, #tpu.memory_space<vmem>>, %arg7: memref<!tpu.dma_semaphore, #tpu.memory_space<semaphore_mem>>, %arg8: memref<!tpu.dma_semaphore, #tpu.memory_space<semaphore_mem>>, %arg9: memref<!tpu.dma_semaphore, #tpu.memory_space<semaphore_mem>>, %arg10: memref<!tpu.dma_semaphore, #tpu.memory_space<semaphore_mem>>, %arg11: memref<!tpu.dma_semaphore, #tpu.memory_space<semaphore_mem>>, %arg12: memref<!tpu.dma_semaphore, #tpu.memory_space<semaphore_mem>>, %arg13: memref<!tpu.dma_semaphore, #tpu.memory_space<semaphore_mem>>, %arg14: memref<!tpu.dma_semaphore, #tpu.memory_space<semaphore_mem>>) attributes {dimension_semantics = [#tpu.dimension_semantics<core_parallel>, #tpu.dimension_semantics<subcore_parallel>], iteration_bounds = array<i64: 2, 16>, scalar_prefetch = 0 : i64, scratch_operands = 10 : i64, tpu.core_type = #tpu.core_type<sc_vector_subcore>, window_params = [{transform_indices = #map}, {transform_indices = #map1}, {transform_indices = #map1}]} {
    %mul3A = arith.constant 2 : i32
    %mul3A_0 = arith.muli %arg1, %mul3A : i32
    %add3A = arith.addi %mul3A_0, %arg0 : i32
    %mul3A_1 = arith.constant 2560 : i32
    %mul3A_2 = arith.muli %add3A, %mul3A_1 : i32
    "tpu.region"() ({
      %run_scoped3A = tpu.sem_alloc : memref<!tpu.dma_semaphore, #tpu.memory_space<semaphore_mem>>
      %dma_start3A_1041 = arith.constant 0 : i32
      %dma_start3A_1042 = arith.constant 0 : i32
      %dma_start3A_1043 = tpu.memref_slice %arg2[%add3A, %dma_start3A_1041, %dma_start3A_1042] : memref<32x20x128xi32, #tpu.memory_space<hbm>> -> memref<1x20x128xi32, #tpu.memory_space<hbm>>
      %dma_start3A_1044 = tpu.memref_squeeze %dma_start3A_1043 : memref<1x20x128xi32, #tpu.memory_space<hbm>> -> memref<20x128xi32, #tpu.memory_space<hbm>>
      %dma_start3A_1045 = arith.constant 0 : i32
      %dma_start3A_1046 = arith.constant 0 : i32
      %dma_start3A_1047 = tpu.memref_slice %arg2[%add3A, %dma_start3A_1045, %dma_start3A_1046] : memref<32x20x128xi32, #tpu.memory_space<hbm>> -> memref<1x20x128xi32, #tpu.memory_space<hbm>>
      %dma_start3A_1048 = tpu.memref_squeeze %dma_start3A_1047 : memref<1x20x128xi32, #tpu.memory_space<hbm>> -> memref<20x128xi32, #tpu.memory_space<hbm>>
      tpu.enqueue_dma source(%dma_start3A_1048 : memref<20x128xi32, #tpu.memory_space<hbm>>) target(%arg5 : memref<20x128xi32, #tpu.memory_space<vmem>>) target_semaphore(%run_scoped3A : memref<!tpu.dma_semaphore, #tpu.memory_space<semaphore_mem>>)
      %dma_wait3A_1049 = arith.constant 0 : i32
      %dma_wait3A_1050 = arith.constant 0 : i32
      %dma_wait3A_1051 = tpu.memref_slice %arg2[%add3A, %dma_wait3A_1049, %dma_wait3A_1050] : memref<32x20x128xi32, #tpu.memory_space<hbm>> -> memref<1x20x128xi32, #tpu.memory_space<hbm>>
      %dma_wait3A_1052 = tpu.memref_squeeze %dma_wait3A_1051 : memref<1x20x128xi32, #tpu.memory_space<hbm>> -> memref<20x128xi32, #tpu.memory_space<hbm>>
      %dma_wait3A_1053 = arith.constant 0 : i32
      %dma_wait3A_1054 = arith.constant 0 : i32
      %dma_wait3A_1055 = tpu.memref_slice %arg2[%add3A, %dma_wait3A_1053, %dma_wait3A_1054] : memref<32x20x128xi32, #tpu.memory_space<hbm>> -> memref<1x20x128xi32, #tpu.memory_space<hbm>>
      %dma_wait3A_1056 = tpu.memref_squeeze %dma_wait3A_1055 : memref<1x20x128xi32, #tpu.memory_space<hbm>> -> memref<20x128xi32, #tpu.memory_space<hbm>>
      tpu.wait_dma2 semaphore(%run_scoped3A : memref<!tpu.dma_semaphore, #tpu.memory_space<semaphore_mem>>) src(%dma_wait3A_1056 : memref<20x128xi32, #tpu.memory_space<hbm>>) dst(%arg5 : memref<20x128xi32, #tpu.memory_space<vmem>>)
      tpu.yield
    }) : () -> ()
    %dma_start3A = arith.constant 0 : i32
    %dma_start3A_3 = arith.constant 0 : i32
    %dma_start3A_4 = arith.constant 0 : i32
    %dma_start3A_5 = arith.constant 0 : i32
    %dma_start3A_6 = tpu.memref_slice %arg6[%dma_start3A_3, %dma_start3A_4, %dma_start3A_5] : memref<4x128x128xf32, #tpu.memory_space<vmem>> -> memref<1x128x128xf32, #tpu.memory_space<vmem>>
    %dma_start3A_7 = tpu.memref_squeeze %dma_start3A_6 : memref<1x128x128xf32, #tpu.memory_space<vmem>> -> memref<128x128xf32, #tpu.memory_space<vmem>>
    %dma_start3A_8 = arith.constant 0 : i32
    %dma_start3A_9 = tpu.memref_slice %arg5[%dma_start3A, %dma_start3A_8] : memref<20x128xi32, #tpu.memory_space<vmem>> -> memref<1x128xi32, #tpu.memory_space<vmem>>
    %dma_start3A_10 = tpu.memref_squeeze %dma_start3A_9 : memref<1x128xi32, #tpu.memory_space<vmem>> -> memref<128xi32, #tpu.memory_space<vmem>>
    %dma_start3A_11 = arith.constant 0 : i32
    %dma_start3A_12 = arith.constant 0 : i32
    %dma_start3A_13 = tpu.memref_slice %arg3[%dma_start3A_11, %dma_start3A_12] : memref<1000000x128xf32, #tpu.memory_space<hbm>> -> memref<1000000x128xf32, #tpu.memory_space<hbm>>
    tpu.enqueue_indirect_dma source(%dma_start3A_13 : memref<1000000x128xf32, #tpu.memory_space<hbm>>) target(%dma_start3A_7 : memref<128x128xf32, #tpu.memory_space<vmem>>) offsets(%dma_start3A_10 : memref<128xi32, #tpu.memory_space<vmem>>) semaphore(%arg7 : memref<!tpu.dma_semaphore, #tpu.memory_space<semaphore_mem>>)
    %dma_start3A_14 = arith.constant 1 : i32
    %dma_start3A_15 = arith.constant 1 : i32
    %dma_start3A_16 = arith.constant 0 : i32
    %dma_start3A_17 = arith.constant 0 : i32
    %dma_start3A_18 = tpu.memref_slice %arg6[%dma_start3A_15, %dma_start3A_16, %dma_start3A_17] : memref<4x128x128xf32, #tpu.memory_space<vmem>> -> memref<1x128x128xf32, #tpu.memory_space<vmem>>
    %dma_start3A_19 = tpu.memref_squeeze %dma_start3A_18 : memref<1x128x128xf32, #tpu.memory_space<vmem>> -> memref<128x128xf32, #tpu.memory_space<vmem>>
    %dma_start3A_20 = arith.constant 0 : i32
    %dma_start3A_21 = tpu.memref_slice %arg5[%dma_start3A_14, %dma_start3A_20] : memref<20x128xi32, #tpu.memory_space<vmem>> -> memref<1x128xi32, #tpu.memory_space<vmem>>
    %dma_start3A_22 = tpu.memref_squeeze %dma_start3A_21 : memref<1x128xi32, #tpu.memory_space<vmem>> -> memref<128xi32, #tpu.memory_space<vmem>>
    %dma_start3A_23 = arith.constant 0 : i32
    %dma_start3A_24 = arith.constant 0 : i32
    %dma_start3A_25 = tpu.memref_slice %arg3[%dma_start3A_23, %dma_start3A_24] : memref<1000000x128xf32, #tpu.memory_space<hbm>> -> memref<1000000x128xf32, #tpu.memory_space<hbm>>
    tpu.enqueue_indirect_dma source(%dma_start3A_25 : memref<1000000x128xf32, #tpu.memory_space<hbm>>) target(%dma_start3A_19 : memref<128x128xf32, #tpu.memory_space<vmem>>) offsets(%dma_start3A_22 : memref<128xi32, #tpu.memory_space<vmem>>) semaphore(%arg8 : memref<!tpu.dma_semaphore, #tpu.memory_space<semaphore_mem>>)
    %dma_start3A_26 = arith.constant 2 : i32
    %dma_start3A_27 = arith.constant 2 : i32
    %dma_start3A_28 = arith.constant 0 : i32
    %dma_start3A_29 = arith.constant 0 : i32
    %dma_start3A_30 = tpu.memref_slice %arg6[%dma_start3A_27, %dma_start3A_28, %dma_start3A_29] : memref<4x128x128xf32, #tpu.memory_space<vmem>> -> memref<1x128x128xf32, #tpu.memory_space<vmem>>
    %dma_start3A_31 = tpu.memref_squeeze %dma_start3A_30 : memref<1x128x128xf32, #tpu.memory_space<vmem>> -> memref<128x128xf32, #tpu.memory_space<vmem>>
    %dma_start3A_32 = arith.constant 0 : i32
    %dma_start3A_33 = tpu.memref_slice %arg5[%dma_start3A_26, %dma_start3A_32] : memref<20x128xi32, #tpu.memory_space<vmem>> -> memref<1x128xi32, #tpu.memory_space<vmem>>
    %dma_start3A_34 = tpu.memref_squeeze %dma_start3A_33 : memref<1x128xi32, #tpu.memory_space<vmem>> -> memref<128xi32, #tpu.memory_space<vmem>>
    %dma_start3A_35 = arith.constant 0 : i32
    %dma_start3A_36 = arith.constant 0 : i32
    %dma_start3A_37 = tpu.memref_slice %arg3[%dma_start3A_35, %dma_start3A_36] : memref<1000000x128xf32, #tpu.memory_space<hbm>> -> memref<1000000x128xf32, #tpu.memory_space<hbm>>
    tpu.enqueue_indirect_dma source(%dma_start3A_37 : memref<1000000x128xf32, #tpu.memory_space<hbm>>) target(%dma_start3A_31 : memref<128x128xf32, #tpu.memory_space<vmem>>) offsets(%dma_start3A_34 : memref<128xi32, #tpu.memory_space<vmem>>) semaphore(%arg9 : memref<!tpu.dma_semaphore, #tpu.memory_space<semaphore_mem>>)
    %dma_start3A_38 = arith.constant 3 : i32
    %dma_start3A_39 = arith.constant 3 : i32
    %dma_start3A_40 = arith.constant 0 : i32
    %dma_start3A_41 = arith.constant 0 : i32
    %dma_start3A_42 = tpu.memref_slice %arg6[%dma_start3A_39, %dma_start3A_40, %dma_start3A_41] : memref<4x128x128xf32, #tpu.memory_space<vmem>> -> memref<1x128x128xf32, #tpu.memory_space<vmem>>
    %dma_start3A_43 = tpu.memref_squeeze %dma_start3A_42 : memref<1x128x128xf32, #tpu.memory_space<vmem>> -> memref<128x128xf32, #tpu.memory_space<vmem>>
    %dma_start3A_44 = arith.constant 0 : i32
    %dma_start3A_45 = tpu.memref_slice %arg5[%dma_start3A_38, %dma_start3A_44] : memref<20x128xi32, #tpu.memory_space<vmem>> -> memref<1x128xi32, #tpu.memory_space<vmem>>
    %dma_start3A_46 = tpu.memref_squeeze %dma_start3A_45 : memref<1x128xi32, #tpu.memory_space<vmem>> -> memref<128xi32, #tpu.memory_space<vmem>>
    %dma_start3A_47 = arith.constant 0 : i32
    %dma_start3A_48 = arith.constant 0 : i32
    %dma_start3A_49 = tpu.memref_slice %arg3[%dma_start3A_47, %dma_start3A_48] : memref<1000000x128xf32, #tpu.memory_space<hbm>> -> memref<1000000x128xf32, #tpu.memory_space<hbm>>
    tpu.enqueue_indirect_dma source(%dma_start3A_49 : memref<1000000x128xf32, #tpu.memory_space<hbm>>) target(%dma_start3A_43 : memref<128x128xf32, #tpu.memory_space<vmem>>) offsets(%dma_start3A_46 : memref<128xi32, #tpu.memory_space<vmem>>) semaphore(%arg10 : memref<!tpu.dma_semaphore, #tpu.memory_space<semaphore_mem>>)
    %dma_wait3A = arith.constant 0 : i32
    %dma_wait3A_50 = arith.constant 0 : i32
    %dma_wait3A_51 = arith.constant 0 : i32
    %dma_wait3A_52 = arith.constant 0 : i32
    %dma_wait3A_53 = tpu.memref_slice %arg6[%dma_wait3A_50, %dma_wait3A_51, %dma_wait3A_52] : memref<4x128x128xf32, #tpu.memory_space<vmem>> -> memref<1x128x128xf32, #tpu.memory_space<vmem>>
    %dma_wait3A_54 = tpu.memref_squeeze %dma_wait3A_53 : memref<1x128x128xf32, #tpu.memory_space<vmem>> -> memref<128x128xf32, #tpu.memory_space<vmem>>
    %dma_wait3A_55 = arith.constant 0 : i32
    %dma_wait3A_56 = tpu.memref_slice %arg5[%dma_wait3A, %dma_wait3A_55] : memref<20x128xi32, #tpu.memory_space<vmem>> -> memref<1x128xi32, #tpu.memory_space<vmem>>
    %dma_wait3A_57 = tpu.memref_squeeze %dma_wait3A_56 : memref<1x128xi32, #tpu.memory_space<vmem>> -> memref<128xi32, #tpu.memory_space<vmem>>
    %dma_wait3A_58 = arith.constant 0 : i32
    %dma_wait3A_59 = arith.constant 0 : i32
    %dma_wait3A_60 = tpu.memref_slice %arg3[%dma_wait3A_58, %dma_wait3A_59] : memref<1000000x128xf32, #tpu.memory_space<hbm>> -> memref<1000000x128xf32, #tpu.memory_space<hbm>>
    tpu.wait_indirect_dma semaphore(%arg7 : memref<!tpu.dma_semaphore, #tpu.memory_space<semaphore_mem>>) src(%dma_wait3A_60 : memref<1000000x128xf32, #tpu.memory_space<hbm>>) dst(%dma_wait3A_54 : memref<128x128xf32, #tpu.memory_space<vmem>>)
    %add3A_61 = arith.constant 0 : i32
    %add3A_62 = arith.addi %mul3A_2, %add3A_61 : i32
    %dma_start3A_63 = arith.constant 0 : i32
    %dma_start3A_64 = arith.constant 0 : i32
    %dma_start3A_65 = arith.constant 0 : i32
    %dma_start3A_66 = tpu.memref_slice %arg6[%dma_start3A_63, %dma_start3A_64, %dma_start3A_65] : memref<4x128x128xf32, #tpu.memory_space<vmem>> -> memref<1x128x128xf32, #tpu.memory_space<vmem>>
    %dma_start3A_67 = tpu.memref_squeeze %dma_start3A_66 : memref<1x128x128xf32, #tpu.memory_space<vmem>> -> memref<128x128xf32, #tpu.memory_space<vmem>>
    %dma_start3A_68 = arith.constant 0 : i32
    %dma_start3A_69 = tpu.memref_slice %arg4[%add3A_62, %dma_start3A_68] : memref<81920x128xf32, #tpu.memory_space<hbm>> -> memref<128x128xf32, #tpu.memory_space<hbm>>
    %dma_start3A_70 = arith.constant 0 : i32
    %dma_start3A_71 = tpu.memref_slice %arg4[%add3A_62, %dma_start3A_70] : memref<81920x128xf32, #tpu.memory_space<hbm>> -> memref<128x128xf32, #tpu.memory_space<hbm>>
    %dma_start3A_72 = arith.constant 0 : i32
    %dma_start3A_73 = arith.constant 0 : i32
    %dma_start3A_74 = tpu.memref_slice %arg6[%dma_start3A_63, %dma_start3A_72, %dma_start3A_73] : memref<4x128x128xf32, #tpu.memory_space<vmem>> -> memref<1x128x128xf32, #tpu.memory_space<vmem>>
    %dma_start3A_75 = tpu.memref_squeeze %dma_start3A_74 : memref<1x128x128xf32, #tpu.memory_space<vmem>> -> memref<128x128xf32, #tpu.memory_space<vmem>>
    tpu.enqueue_dma source(%dma_start3A_75 : memref<128x128xf32, #tpu.memory_space<vmem>>) target(%dma_start3A_71 : memref<128x128xf32, #tpu.memory_space<hbm>>) target_semaphore(%arg11 : memref<!tpu.dma_semaphore, #tpu.memory_space<semaphore_mem>>)
    %dma_wait3A_76 = arith.constant 0 : i32
    %dma_wait3A_77 = arith.constant 0 : i32
    %dma_wait3A_78 = arith.constant 0 : i32
    %dma_wait3A_79 = tpu.memref_slice %arg6[%dma_wait3A_76, %dma_wait3A_77, %dma_wait3A_78] : memref<4x128x128xf32, #tpu.memory_space<vmem>> -> memref<1x128x128xf32, #tpu.memory_space<vmem>>
    %dma_wait3A_80 = tpu.memref_squeeze %dma_wait3A_79 : memref<1x128x128xf32, #tpu.memory_space<vmem>> -> memref<128x128xf32, #tpu.memory_space<vmem>>
    %dma_wait3A_81 = arith.constant 0 : i32
    %dma_wait3A_82 = tpu.memref_slice %arg4[%add3A_62, %dma_wait3A_81] : memref<81920x128xf32, #tpu.memory_space<hbm>> -> memref<128x128xf32, #tpu.memory_space<hbm>>
    %dma_wait3A_83 = arith.constant 0 : i32
    %dma_wait3A_84 = tpu.memref_slice %arg4[%add3A_62, %dma_wait3A_83] : memref<81920x128xf32, #tpu.memory_space<hbm>> -> memref<128x128xf32, #tpu.memory_space<hbm>>
    %dma_wait3A_85 = arith.constant 0 : i32
    %dma_wait3A_86 = arith.constant 0 : i32
    %dma_wait3A_87 = tpu.memref_slice %arg6[%dma_wait3A_76, %dma_wait3A_85, %dma_wait3A_86] : memref<4x128x128xf32, #tpu.memory_space<vmem>> -> memref<1x128x128xf32, #tpu.memory_space<vmem>>
    %dma_wait3A_88 = tpu.memref_squeeze %dma_wait3A_87 : memref<1x128x128xf32, #tpu.memory_space<vmem>> -> memref<128x128xf32, #tpu.memory_space<vmem>>
    tpu.wait_dma2 semaphore(%arg11 : memref<!tpu.dma_semaphore, #tpu.memory_space<semaphore_mem>>) src(%dma_wait3A_88 : memref<128x128xf32, #tpu.memory_space<vmem>>) dst(%dma_wait3A_84 : memref<128x128xf32, #tpu.memory_space<hbm>>)
    %dma_start3A_89 = arith.constant 4 : i32
    %dma_start3A_90 = arith.constant 0 : i32
    %dma_start3A_91 = arith.constant 0 : i32
    %dma_start3A_92 = arith.constant 0 : i32
    %dma_start3A_93 = tpu.memref_slice %arg6[%dma_start3A_90, %dma_start3A_91, %dma_start3A_92] : memref<4x128x128xf32, #tpu.memory_space<vmem>> -> memref<1x128x128xf32, #tpu.memory_space<vmem>>
    %dma_start3A_94 = tpu.memref_squeeze %dma_start3A_93 : memref<1x128x128xf32, #tpu.memory_space<vmem>> -> memref<128x128xf32, #tpu.memory_space<vmem>>
    %dma_start3A_95 = arith.constant 0 : i32
    %dma_start3A_96 = tpu.memref_slice %arg5[%dma_start3A_89, %dma_start3A_95] : memref<20x128xi32, #tpu.memory_space<vmem>> -> memref<1x128xi32, #tpu.memory_space<vmem>>
    %dma_start3A_97 = tpu.memref_squeeze %dma_start3A_96 : memref<1x128xi32, #tpu.memory_space<vmem>> -> memref<128xi32, #tpu.memory_space<vmem>>
    %dma_start3A_98 = arith.constant 0 : i32
    %dma_start3A_99 = arith.constant 0 : i32
    %dma_start3A_100 = tpu.memref_slice %arg3[%dma_start3A_98, %dma_start3A_99] : memref<1000000x128xf32, #tpu.memory_space<hbm>> -> memref<1000000x128xf32, #tpu.memory_space<hbm>>
    tpu.enqueue_indirect_dma source(%dma_start3A_100 : memref<1000000x128xf32, #tpu.memory_space<hbm>>) target(%dma_start3A_94 : memref<128x128xf32, #tpu.memory_space<vmem>>) offsets(%dma_start3A_97 : memref<128xi32, #tpu.memory_space<vmem>>) semaphore(%arg7 : memref<!tpu.dma_semaphore, #tpu.memory_space<semaphore_mem>>)
    %dma_wait3A_101 = arith.constant 1 : i32
    %dma_wait3A_102 = arith.constant 1 : i32
    %dma_wait3A_103 = arith.constant 0 : i32
    %dma_wait3A_104 = arith.constant 0 : i32
    %dma_wait3A_105 = tpu.memref_slice %arg6[%dma_wait3A_102, %dma_wait3A_103, %dma_wait3A_104] : memref<4x128x128xf32, #tpu.memory_space<vmem>> -> memref<1x128x128xf32, #tpu.memory_space<vmem>>
    %dma_wait3A_106 = tpu.memref_squeeze %dma_wait3A_105 : memref<1x128x128xf32, #tpu.memory_space<vmem>> -> memref<128x128xf32, #tpu.memory_space<vmem>>
    %dma_wait3A_107 = arith.constant 0 : i32
    %dma_wait3A_108 = tpu.memref_slice %arg5[%dma_wait3A_101, %dma_wait3A_107] : memref<20x128xi32, #tpu.memory_space<vmem>> -> memref<1x128xi32, #tpu.memory_space<vmem>>
    %dma_wait3A_109 = tpu.memref_squeeze %dma_wait3A_108 : memref<1x128xi32, #tpu.memory_space<vmem>> -> memref<128xi32, #tpu.memory_space<vmem>>
    %dma_wait3A_110 = arith.constant 0 : i32
    %dma_wait3A_111 = arith.constant 0 : i32
    %dma_wait3A_112 = tpu.memref_slice %arg3[%dma_wait3A_110, %dma_wait3A_111] : memref<1000000x128xf32, #tpu.memory_space<hbm>> -> memref<1000000x128xf32, #tpu.memory_space<hbm>>
    tpu.wait_indirect_dma semaphore(%arg8 : memref<!tpu.dma_semaphore, #tpu.memory_space<semaphore_mem>>) src(%dma_wait3A_112 : memref<1000000x128xf32, #tpu.memory_space<hbm>>) dst(%dma_wait3A_106 : memref<128x128xf32, #tpu.memory_space<vmem>>)
    %add3A_113 = arith.constant 128 : i32
    %add3A_114 = arith.addi %mul3A_2, %add3A_113 : i32
    %dma_start3A_115 = arith.constant 1 : i32
    %dma_start3A_116 = arith.constant 0 : i32
    %dma_start3A_117 = arith.constant 0 : i32
    %dma_start3A_118 = tpu.memref_slice %arg6[%dma_start3A_115, %dma_start3A_116, %dma_start3A_117] : memref<4x128x128xf32, #tpu.memory_space<vmem>> -> memref<1x128x128xf32, #tpu.memory_space<vmem>>
    %dma_start3A_119 = tpu.memref_squeeze %dma_start3A_118 : memref<1x128x128xf32, #tpu.memory_space<vmem>> -> memref<128x128xf32, #tpu.memory_space<vmem>>
    %dma_start3A_120 = arith.constant 0 : i32
    %dma_start3A_121 = tpu.memref_slice %arg4[%add3A_114, %dma_start3A_120] : memref<81920x128xf32, #tpu.memory_space<hbm>> -> memref<128x128xf32, #tpu.memory_space<hbm>>
    %dma_start3A_122 = arith.constant 0 : i32
    %dma_start3A_123 = tpu.memref_slice %arg4[%add3A_114, %dma_start3A_122] : memref<81920x128xf32, #tpu.memory_space<hbm>> -> memref<128x128xf32, #tpu.memory_space<hbm>>
    %dma_start3A_124 = arith.constant 0 : i32
    %dma_start3A_125 = arith.constant 0 : i32
    %dma_start3A_126 = tpu.memref_slice %arg6[%dma_start3A_115, %dma_start3A_124, %dma_start3A_125] : memref<4x128x128xf32, #tpu.memory_space<vmem>> -> memref<1x128x128xf32, #tpu.memory_space<vmem>>
    %dma_start3A_127 = tpu.memref_squeeze %dma_start3A_126 : memref<1x128x128xf32, #tpu.memory_space<vmem>> -> memref<128x128xf32, #tpu.memory_space<vmem>>
    tpu.enqueue_dma source(%dma_start3A_127 : memref<128x128xf32, #tpu.memory_space<vmem>>) target(%dma_start3A_123 : memref<128x128xf32, #tpu.memory_space<hbm>>) target_semaphore(%arg12 : memref<!tpu.dma_semaphore, #tpu.memory_space<semaphore_mem>>)
    %dma_wait3A_128 = arith.constant 1 : i32
    %dma_wait3A_129 = arith.constant 0 : i32
    %dma_wait3A_130 = arith.constant 0 : i32
    %dma_wait3A_131 = tpu.memref_slice %arg6[%dma_wait3A_128, %dma_wait3A_129, %dma_wait3A_130] : memref<4x128x128xf32, #tpu.memory_space<vmem>> -> memref<1x128x128xf32, #tpu.memory_space<vmem>>
    %dma_wait3A_132 = tpu.memref_squeeze %dma_wait3A_131 : memref<1x128x128xf32, #tpu.memory_space<vmem>> -> memref<128x128xf32, #tpu.memory_space<vmem>>
    %dma_wait3A_133 = arith.constant 0 : i32
    %dma_wait3A_134 = tpu.memref_slice %arg4[%add3A_114, %dma_wait3A_133] : memref<81920x128xf32, #tpu.memory_space<hbm>> -> memref<128x128xf32, #tpu.memory_space<hbm>>
    %dma_wait3A_135 = arith.constant 0 : i32
    %dma_wait3A_136 = tpu.memref_slice %arg4[%add3A_114, %dma_wait3A_135] : memref<81920x128xf32, #tpu.memory_space<hbm>> -> memref<128x128xf32, #tpu.memory_space<hbm>>
    %dma_wait3A_137 = arith.constant 0 : i32
    %dma_wait3A_138 = arith.constant 0 : i32
    %dma_wait3A_139 = tpu.memref_slice %arg6[%dma_wait3A_128, %dma_wait3A_137, %dma_wait3A_138] : memref<4x128x128xf32, #tpu.memory_space<vmem>> -> memref<1x128x128xf32, #tpu.memory_space<vmem>>
    %dma_wait3A_140 = tpu.memref_squeeze %dma_wait3A_139 : memref<1x128x128xf32, #tpu.memory_space<vmem>> -> memref<128x128xf32, #tpu.memory_space<vmem>>
    tpu.wait_dma2 semaphore(%arg12 : memref<!tpu.dma_semaphore, #tpu.memory_space<semaphore_mem>>) src(%dma_wait3A_140 : memref<128x128xf32, #tpu.memory_space<vmem>>) dst(%dma_wait3A_136 : memref<128x128xf32, #tpu.memory_space<hbm>>)
    %dma_start3A_141 = arith.constant 5 : i32
    %dma_start3A_142 = arith.constant 1 : i32
    %dma_start3A_143 = arith.constant 0 : i32
    %dma_start3A_144 = arith.constant 0 : i32
    %dma_start3A_145 = tpu.memref_slice %arg6[%dma_start3A_142, %dma_start3A_143, %dma_start3A_144] : memref<4x128x128xf32, #tpu.memory_space<vmem>> -> memref<1x128x128xf32, #tpu.memory_space<vmem>>
    %dma_start3A_146 = tpu.memref_squeeze %dma_start3A_145 : memref<1x128x128xf32, #tpu.memory_space<vmem>> -> memref<128x128xf32, #tpu.memory_space<vmem>>
    %dma_start3A_147 = arith.constant 0 : i32
    %dma_start3A_148 = tpu.memref_slice %arg5[%dma_start3A_141, %dma_start3A_147] : memref<20x128xi32, #tpu.memory_space<vmem>> -> memref<1x128xi32, #tpu.memory_space<vmem>>
    %dma_start3A_149 = tpu.memref_squeeze %dma_start3A_148 : memref<1x128xi32, #tpu.memory_space<vmem>> -> memref<128xi32, #tpu.memory_space<vmem>>
    %dma_start3A_150 = arith.constant 0 : i32
    %dma_start3A_151 = arith.constant 0 : i32
    %dma_start3A_152 = tpu.memref_slice %arg3[%dma_start3A_150, %dma_start3A_151] : memref<1000000x128xf32, #tpu.memory_space<hbm>> -> memref<1000000x128xf32, #tpu.memory_space<hbm>>
    tpu.enqueue_indirect_dma source(%dma_start3A_152 : memref<1000000x128xf32, #tpu.memory_space<hbm>>) target(%dma_start3A_146 : memref<128x128xf32, #tpu.memory_space<vmem>>) offsets(%dma_start3A_149 : memref<128xi32, #tpu.memory_space<vmem>>) semaphore(%arg8 : memref<!tpu.dma_semaphore, #tpu.memory_space<semaphore_mem>>)
    %dma_wait3A_153 = arith.constant 2 : i32
    %dma_wait3A_154 = arith.constant 2 : i32
    %dma_wait3A_155 = arith.constant 0 : i32
    %dma_wait3A_156 = arith.constant 0 : i32
    %dma_wait3A_157 = tpu.memref_slice %arg6[%dma_wait3A_154, %dma_wait3A_155, %dma_wait3A_156] : memref<4x128x128xf32, #tpu.memory_space<vmem>> -> memref<1x128x128xf32, #tpu.memory_space<vmem>>
    %dma_wait3A_158 = tpu.memref_squeeze %dma_wait3A_157 : memref<1x128x128xf32, #tpu.memory_space<vmem>> -> memref<128x128xf32, #tpu.memory_space<vmem>>
    %dma_wait3A_159 = arith.constant 0 : i32
    %dma_wait3A_160 = tpu.memref_slice %arg5[%dma_wait3A_153, %dma_wait3A_159] : memref<20x128xi32, #tpu.memory_space<vmem>> -> memref<1x128xi32, #tpu.memory_space<vmem>>
    %dma_wait3A_161 = tpu.memref_squeeze %dma_wait3A_160 : memref<1x128xi32, #tpu.memory_space<vmem>> -> memref<128xi32, #tpu.memory_space<vmem>>
    %dma_wait3A_162 = arith.constant 0 : i32
    %dma_wait3A_163 = arith.constant 0 : i32
    %dma_wait3A_164 = tpu.memref_slice %arg3[%dma_wait3A_162, %dma_wait3A_163] : memref<1000000x128xf32, #tpu.memory_space<hbm>> -> memref<1000000x128xf32, #tpu.memory_space<hbm>>
    tpu.wait_indirect_dma semaphore(%arg9 : memref<!tpu.dma_semaphore, #tpu.memory_space<semaphore_mem>>) src(%dma_wait3A_164 : memref<1000000x128xf32, #tpu.memory_space<hbm>>) dst(%dma_wait3A_158 : memref<128x128xf32, #tpu.memory_space<vmem>>)
    %add3A_165 = arith.constant 256 : i32
    %add3A_166 = arith.addi %mul3A_2, %add3A_165 : i32
    %dma_start3A_167 = arith.constant 2 : i32
    %dma_start3A_168 = arith.constant 0 : i32
    %dma_start3A_169 = arith.constant 0 : i32
    %dma_start3A_170 = tpu.memref_slice %arg6[%dma_start3A_167, %dma_start3A_168, %dma_start3A_169] : memref<4x128x128xf32, #tpu.memory_space<vmem>> -> memref<1x128x128xf32, #tpu.memory_space<vmem>>
    %dma_start3A_171 = tpu.memref_squeeze %dma_start3A_170 : memref<1x128x128xf32, #tpu.memory_space<vmem>> -> memref<128x128xf32, #tpu.memory_space<vmem>>
    %dma_start3A_172 = arith.constant 0 : i32
    %dma_start3A_173 = tpu.memref_slice %arg4[%add3A_166, %dma_start3A_172] : memref<81920x128xf32, #tpu.memory_space<hbm>> -> memref<128x128xf32, #tpu.memory_space<hbm>>
    %dma_start3A_174 = arith.constant 0 : i32
    %dma_start3A_175 = tpu.memref_slice %arg4[%add3A_166, %dma_start3A_174] : memref<81920x128xf32, #tpu.memory_space<hbm>> -> memref<128x128xf32, #tpu.memory_space<hbm>>
    %dma_start3A_176 = arith.constant 0 : i32
    %dma_start3A_177 = arith.constant 0 : i32
    %dma_start3A_178 = tpu.memref_slice %arg6[%dma_start3A_167, %dma_start3A_176, %dma_start3A_177] : memref<4x128x128xf32, #tpu.memory_space<vmem>> -> memref<1x128x128xf32, #tpu.memory_space<vmem>>
    %dma_start3A_179 = tpu.memref_squeeze %dma_start3A_178 : memref<1x128x128xf32, #tpu.memory_space<vmem>> -> memref<128x128xf32, #tpu.memory_space<vmem>>
    tpu.enqueue_dma source(%dma_start3A_179 : memref<128x128xf32, #tpu.memory_space<vmem>>) target(%dma_start3A_175 : memref<128x128xf32, #tpu.memory_space<hbm>>) target_semaphore(%arg13 : memref<!tpu.dma_semaphore, #tpu.memory_space<semaphore_mem>>)
    %dma_wait3A_180 = arith.constant 2 : i32
    %dma_wait3A_181 = arith.constant 0 : i32
    %dma_wait3A_182 = arith.constant 0 : i32
    %dma_wait3A_183 = tpu.memref_slice %arg6[%dma_wait3A_180, %dma_wait3A_181, %dma_wait3A_182] : memref<4x128x128xf32, #tpu.memory_space<vmem>> -> memref<1x128x128xf32, #tpu.memory_space<vmem>>
    %dma_wait3A_184 = tpu.memref_squeeze %dma_wait3A_183 : memref<1x128x128xf32, #tpu.memory_space<vmem>> -> memref<128x128xf32, #tpu.memory_space<vmem>>
    %dma_wait3A_185 = arith.constant 0 : i32
    %dma_wait3A_186 = tpu.memref_slice %arg4[%add3A_166, %dma_wait3A_185] : memref<81920x128xf32, #tpu.memory_space<hbm>> -> memref<128x128xf32, #tpu.memory_space<hbm>>
    %dma_wait3A_187 = arith.constant 0 : i32
    %dma_wait3A_188 = tpu.memref_slice %arg4[%add3A_166, %dma_wait3A_187] : memref<81920x128xf32, #tpu.memory_space<hbm>> -> memref<128x128xf32, #tpu.memory_space<hbm>>
    %dma_wait3A_189 = arith.constant 0 : i32
    %dma_wait3A_190 = arith.constant 0 : i32
    %dma_wait3A_191 = tpu.memref_slice %arg6[%dma_wait3A_180, %dma_wait3A_189, %dma_wait3A_190] : memref<4x128x128xf32, #tpu.memory_space<vmem>> -> memref<1x128x128xf32, #tpu.memory_space<vmem>>
    %dma_wait3A_192 = tpu.memref_squeeze %dma_wait3A_191 : memref<1x128x128xf32, #tpu.memory_space<vmem>> -> memref<128x128xf32, #tpu.memory_space<vmem>>
    tpu.wait_dma2 semaphore(%arg13 : memref<!tpu.dma_semaphore, #tpu.memory_space<semaphore_mem>>) src(%dma_wait3A_192 : memref<128x128xf32, #tpu.memory_space<vmem>>) dst(%dma_wait3A_188 : memref<128x128xf32, #tpu.memory_space<hbm>>)
    %dma_start3A_193 = arith.constant 6 : i32
    %dma_start3A_194 = arith.constant 2 : i32
    %dma_start3A_195 = arith.constant 0 : i32
    %dma_start3A_196 = arith.constant 0 : i32
    %dma_start3A_197 = tpu.memref_slice %arg6[%dma_start3A_194, %dma_start3A_195, %dma_start3A_196] : memref<4x128x128xf32, #tpu.memory_space<vmem>> -> memref<1x128x128xf32, #tpu.memory_space<vmem>>
    %dma_start3A_198 = tpu.memref_squeeze %dma_start3A_197 : memref<1x128x128xf32, #tpu.memory_space<vmem>> -> memref<128x128xf32, #tpu.memory_space<vmem>>
    %dma_start3A_199 = arith.constant 0 : i32
    %dma_start3A_200 = tpu.memref_slice %arg5[%dma_start3A_193, %dma_start3A_199] : memref<20x128xi32, #tpu.memory_space<vmem>> -> memref<1x128xi32, #tpu.memory_space<vmem>>
    %dma_start3A_201 = tpu.memref_squeeze %dma_start3A_200 : memref<1x128xi32, #tpu.memory_space<vmem>> -> memref<128xi32, #tpu.memory_space<vmem>>
    %dma_start3A_202 = arith.constant 0 : i32
    %dma_start3A_203 = arith.constant 0 : i32
    %dma_start3A_204 = tpu.memref_slice %arg3[%dma_start3A_202, %dma_start3A_203] : memref<1000000x128xf32, #tpu.memory_space<hbm>> -> memref<1000000x128xf32, #tpu.memory_space<hbm>>
    tpu.enqueue_indirect_dma source(%dma_start3A_204 : memref<1000000x128xf32, #tpu.memory_space<hbm>>) target(%dma_start3A_198 : memref<128x128xf32, #tpu.memory_space<vmem>>) offsets(%dma_start3A_201 : memref<128xi32, #tpu.memory_space<vmem>>) semaphore(%arg9 : memref<!tpu.dma_semaphore, #tpu.memory_space<semaphore_mem>>)
    %dma_wait3A_205 = arith.constant 3 : i32
    %dma_wait3A_206 = arith.constant 3 : i32
    %dma_wait3A_207 = arith.constant 0 : i32
    %dma_wait3A_208 = arith.constant 0 : i32
    %dma_wait3A_209 = tpu.memref_slice %arg6[%dma_wait3A_206, %dma_wait3A_207, %dma_wait3A_208] : memref<4x128x128xf32, #tpu.memory_space<vmem>> -> memref<1x128x128xf32, #tpu.memory_space<vmem>>
    %dma_wait3A_210 = tpu.memref_squeeze %dma_wait3A_209 : memref<1x128x128xf32, #tpu.memory_space<vmem>> -> memref<128x128xf32, #tpu.memory_space<vmem>>
    %dma_wait3A_211 = arith.constant 0 : i32
    %dma_wait3A_212 = tpu.memref_slice %arg5[%dma_wait3A_205, %dma_wait3A_211] : memref<20x128xi32, #tpu.memory_space<vmem>> -> memref<1x128xi32, #tpu.memory_space<vmem>>
    %dma_wait3A_213 = tpu.memref_squeeze %dma_wait3A_212 : memref<1x128xi32, #tpu.memory_space<vmem>> -> memref<128xi32, #tpu.memory_space<vmem>>
    %dma_wait3A_214 = arith.constant 0 : i32
    %dma_wait3A_215 = arith.constant 0 : i32
    %dma_wait3A_216 = tpu.memref_slice %arg3[%dma_wait3A_214, %dma_wait3A_215] : memref<1000000x128xf32, #tpu.memory_space<hbm>> -> memref<1000000x128xf32, #tpu.memory_space<hbm>>
    tpu.wait_indirect_dma semaphore(%arg10 : memref<!tpu.dma_semaphore, #tpu.memory_space<semaphore_mem>>) src(%dma_wait3A_216 : memref<1000000x128xf32, #tpu.memory_space<hbm>>) dst(%dma_wait3A_210 : memref<128x128xf32, #tpu.memory_space<vmem>>)
    %add3A_217 = arith.constant 384 : i32
    %add3A_218 = arith.addi %mul3A_2, %add3A_217 : i32
    %dma_start3A_219 = arith.constant 3 : i32
    %dma_start3A_220 = arith.constant 0 : i32
    %dma_start3A_221 = arith.constant 0 : i32
    %dma_start3A_222 = tpu.memref_slice %arg6[%dma_start3A_219, %dma_start3A_220, %dma_start3A_221] : memref<4x128x128xf32, #tpu.memory_space<vmem>> -> memref<1x128x128xf32, #tpu.memory_space<vmem>>
    %dma_start3A_223 = tpu.memref_squeeze %dma_start3A_222 : memref<1x128x128xf32, #tpu.memory_space<vmem>> -> memref<128x128xf32, #tpu.memory_space<vmem>>
    %dma_start3A_224 = arith.constant 0 : i32
    %dma_start3A_225 = tpu.memref_slice %arg4[%add3A_218, %dma_start3A_224] : memref<81920x128xf32, #tpu.memory_space<hbm>> -> memref<128x128xf32, #tpu.memory_space<hbm>>
    %dma_start3A_226 = arith.constant 0 : i32
    %dma_start3A_227 = tpu.memref_slice %arg4[%add3A_218, %dma_start3A_226] : memref<81920x128xf32, #tpu.memory_space<hbm>> -> memref<128x128xf32, #tpu.memory_space<hbm>>
    %dma_start3A_228 = arith.constant 0 : i32
    %dma_start3A_229 = arith.constant 0 : i32
    %dma_start3A_230 = tpu.memref_slice %arg6[%dma_start3A_219, %dma_start3A_228, %dma_start3A_229] : memref<4x128x128xf32, #tpu.memory_space<vmem>> -> memref<1x128x128xf32, #tpu.memory_space<vmem>>
    %dma_start3A_231 = tpu.memref_squeeze %dma_start3A_230 : memref<1x128x128xf32, #tpu.memory_space<vmem>> -> memref<128x128xf32, #tpu.memory_space<vmem>>
    tpu.enqueue_dma source(%dma_start3A_231 : memref<128x128xf32, #tpu.memory_space<vmem>>) target(%dma_start3A_227 : memref<128x128xf32, #tpu.memory_space<hbm>>) target_semaphore(%arg14 : memref<!tpu.dma_semaphore, #tpu.memory_space<semaphore_mem>>)
    %dma_wait3A_232 = arith.constant 3 : i32
    %dma_wait3A_233 = arith.constant 0 : i32
    %dma_wait3A_234 = arith.constant 0 : i32
    %dma_wait3A_235 = tpu.memref_slice %arg6[%dma_wait3A_232, %dma_wait3A_233, %dma_wait3A_234] : memref<4x128x128xf32, #tpu.memory_space<vmem>> -> memref<1x128x128xf32, #tpu.memory_space<vmem>>
    %dma_wait3A_236 = tpu.memref_squeeze %dma_wait3A_235 : memref<1x128x128xf32, #tpu.memory_space<vmem>> -> memref<128x128xf32, #tpu.memory_space<vmem>>
    %dma_wait3A_237 = arith.constant 0 : i32
    %dma_wait3A_238 = tpu.memref_slice %arg4[%add3A_218, %dma_wait3A_237] : memref<81920x128xf32, #tpu.memory_space<hbm>> -> memref<128x128xf32, #tpu.memory_space<hbm>>
    %dma_wait3A_239 = arith.constant 0 : i32
    %dma_wait3A_240 = tpu.memref_slice %arg4[%add3A_218, %dma_wait3A_239] : memref<81920x128xf32, #tpu.memory_space<hbm>> -> memref<128x128xf32, #tpu.memory_space<hbm>>
    %dma_wait3A_241 = arith.constant 0 : i32
    %dma_wait3A_242 = arith.constant 0 : i32
    %dma_wait3A_243 = tpu.memref_slice %arg6[%dma_wait3A_232, %dma_wait3A_241, %dma_wait3A_242] : memref<4x128x128xf32, #tpu.memory_space<vmem>> -> memref<1x128x128xf32, #tpu.memory_space<vmem>>
    %dma_wait3A_244 = tpu.memref_squeeze %dma_wait3A_243 : memref<1x128x128xf32, #tpu.memory_space<vmem>> -> memref<128x128xf32, #tpu.memory_space<vmem>>
    tpu.wait_dma2 semaphore(%arg14 : memref<!tpu.dma_semaphore, #tpu.memory_space<semaphore_mem>>) src(%dma_wait3A_244 : memref<128x128xf32, #tpu.memory_space<vmem>>) dst(%dma_wait3A_240 : memref<128x128xf32, #tpu.memory_space<hbm>>)
    %dma_start3A_245 = arith.constant 7 : i32
    %dma_start3A_246 = arith.constant 3 : i32
    %dma_start3A_247 = arith.constant 0 : i32
    %dma_start3A_248 = arith.constant 0 : i32
    %dma_start3A_249 = tpu.memref_slice %arg6[%dma_start3A_246, %dma_start3A_247, %dma_start3A_248] : memref<4x128x128xf32, #tpu.memory_space<vmem>> -> memref<1x128x128xf32, #tpu.memory_space<vmem>>
    %dma_start3A_250 = tpu.memref_squeeze %dma_start3A_249 : memref<1x128x128xf32, #tpu.memory_space<vmem>> -> memref<128x128xf32, #tpu.memory_space<vmem>>
    %dma_start3A_251 = arith.constant 0 : i32
    %dma_start3A_252 = tpu.memref_slice %arg5[%dma_start3A_245, %dma_start3A_251] : memref<20x128xi32, #tpu.memory_space<vmem>> -> memref<1x128xi32, #tpu.memory_space<vmem>>
    %dma_start3A_253 = tpu.memref_squeeze %dma_start3A_252 : memref<1x128xi32, #tpu.memory_space<vmem>> -> memref<128xi32, #tpu.memory_space<vmem>>
    %dma_start3A_254 = arith.constant 0 : i32
    %dma_start3A_255 = arith.constant 0 : i32
    %dma_start3A_256 = tpu.memref_slice %arg3[%dma_start3A_254, %dma_start3A_255] : memref<1000000x128xf32, #tpu.memory_space<hbm>> -> memref<1000000x128xf32, #tpu.memory_space<hbm>>
    tpu.enqueue_indirect_dma source(%dma_start3A_256 : memref<1000000x128xf32, #tpu.memory_space<hbm>>) target(%dma_start3A_250 : memref<128x128xf32, #tpu.memory_space<vmem>>) offsets(%dma_start3A_253 : memref<128xi32, #tpu.memory_space<vmem>>) semaphore(%arg10 : memref<!tpu.dma_semaphore, #tpu.memory_space<semaphore_mem>>)
    %dma_wait3A_257 = arith.constant 4 : i32
    %dma_wait3A_258 = arith.constant 0 : i32
    %dma_wait3A_259 = arith.constant 0 : i32
    %dma_wait3A_260 = arith.constant 0 : i32
    %dma_wait3A_261 = tpu.memref_slice %arg6[%dma_wait3A_258, %dma_wait3A_259, %dma_wait3A_260] : memref<4x128x128xf32, #tpu.memory_space<vmem>> -> memref<1x128x128xf32, #tpu.memory_space<vmem>>
    %dma_wait3A_262 = tpu.memref_squeeze %dma_wait3A_261 : memref<1x128x128xf32, #tpu.memory_space<vmem>> -> memref<128x128xf32, #tpu.memory_space<vmem>>
    %dma_wait3A_263 = arith.constant 0 : i32
    %dma_wait3A_264 = tpu.memref_slice %arg5[%dma_wait3A_257, %dma_wait3A_263] : memref<20x128xi32, #tpu.memory_space<vmem>> -> memref<1x128xi32, #tpu.memory_space<vmem>>
    %dma_wait3A_265 = tpu.memref_squeeze %dma_wait3A_264 : memref<1x128xi32, #tpu.memory_space<vmem>> -> memref<128xi32, #tpu.memory_space<vmem>>
    %dma_wait3A_266 = arith.constant 0 : i32
    %dma_wait3A_267 = arith.constant 0 : i32
    %dma_wait3A_268 = tpu.memref_slice %arg3[%dma_wait3A_266, %dma_wait3A_267] : memref<1000000x128xf32, #tpu.memory_space<hbm>> -> memref<1000000x128xf32, #tpu.memory_space<hbm>>
    tpu.wait_indirect_dma semaphore(%arg7 : memref<!tpu.dma_semaphore, #tpu.memory_space<semaphore_mem>>) src(%dma_wait3A_268 : memref<1000000x128xf32, #tpu.memory_space<hbm>>) dst(%dma_wait3A_262 : memref<128x128xf32, #tpu.memory_space<vmem>>)
    %add3A_269 = arith.constant 512 : i32
    %add3A_270 = arith.addi %mul3A_2, %add3A_269 : i32
    %dma_start3A_271 = arith.constant 0 : i32
    %dma_start3A_272 = arith.constant 0 : i32
    %dma_start3A_273 = arith.constant 0 : i32
    %dma_start3A_274 = tpu.memref_slice %arg6[%dma_start3A_271, %dma_start3A_272, %dma_start3A_273] : memref<4x128x128xf32, #tpu.memory_space<vmem>> -> memref<1x128x128xf32, #tpu.memory_space<vmem>>
    %dma_start3A_275 = tpu.memref_squeeze %dma_start3A_274 : memref<1x128x128xf32, #tpu.memory_space<vmem>> -> memref<128x128xf32, #tpu.memory_space<vmem>>
    %dma_start3A_276 = arith.constant 0 : i32
    %dma_start3A_277 = tpu.memref_slice %arg4[%add3A_270, %dma_start3A_276] : memref<81920x128xf32, #tpu.memory_space<hbm>> -> memref<128x128xf32, #tpu.memory_space<hbm>>
    %dma_start3A_278 = arith.constant 0 : i32
    %dma_start3A_279 = tpu.memref_slice %arg4[%add3A_270, %dma_start3A_278] : memref<81920x128xf32, #tpu.memory_space<hbm>> -> memref<128x128xf32, #tpu.memory_space<hbm>>
    %dma_start3A_280 = arith.constant 0 : i32
    %dma_start3A_281 = arith.constant 0 : i32
    %dma_start3A_282 = tpu.memref_slice %arg6[%dma_start3A_271, %dma_start3A_280, %dma_start3A_281] : memref<4x128x128xf32, #tpu.memory_space<vmem>> -> memref<1x128x128xf32, #tpu.memory_space<vmem>>
    %dma_start3A_283 = tpu.memref_squeeze %dma_start3A_282 : memref<1x128x128xf32, #tpu.memory_space<vmem>> -> memref<128x128xf32, #tpu.memory_space<vmem>>
    tpu.enqueue_dma source(%dma_start3A_283 : memref<128x128xf32, #tpu.memory_space<vmem>>) target(%dma_start3A_279 : memref<128x128xf32, #tpu.memory_space<hbm>>) target_semaphore(%arg11 : memref<!tpu.dma_semaphore, #tpu.memory_space<semaphore_mem>>)
    %dma_wait3A_284 = arith.constant 0 : i32
    %dma_wait3A_285 = arith.constant 0 : i32
    %dma_wait3A_286 = arith.constant 0 : i32
    %dma_wait3A_287 = tpu.memref_slice %arg6[%dma_wait3A_284, %dma_wait3A_285, %dma_wait3A_286] : memref<4x128x128xf32, #tpu.memory_space<vmem>> -> memref<1x128x128xf32, #tpu.memory_space<vmem>>
    %dma_wait3A_288 = tpu.memref_squeeze %dma_wait3A_287 : memref<1x128x128xf32, #tpu.memory_space<vmem>> -> memref<128x128xf32, #tpu.memory_space<vmem>>
    %dma_wait3A_289 = arith.constant 0 : i32
    %dma_wait3A_290 = tpu.memref_slice %arg4[%add3A_270, %dma_wait3A_289] : memref<81920x128xf32, #tpu.memory_space<hbm>> -> memref<128x128xf32, #tpu.memory_space<hbm>>
    %dma_wait3A_291 = arith.constant 0 : i32
    %dma_wait3A_292 = tpu.memref_slice %arg4[%add3A_270, %dma_wait3A_291] : memref<81920x128xf32, #tpu.memory_space<hbm>> -> memref<128x128xf32, #tpu.memory_space<hbm>>
    %dma_wait3A_293 = arith.constant 0 : i32
    %dma_wait3A_294 = arith.constant 0 : i32
    %dma_wait3A_295 = tpu.memref_slice %arg6[%dma_wait3A_284, %dma_wait3A_293, %dma_wait3A_294] : memref<4x128x128xf32, #tpu.memory_space<vmem>> -> memref<1x128x128xf32, #tpu.memory_space<vmem>>
    %dma_wait3A_296 = tpu.memref_squeeze %dma_wait3A_295 : memref<1x128x128xf32, #tpu.memory_space<vmem>> -> memref<128x128xf32, #tpu.memory_space<vmem>>
    tpu.wait_dma2 semaphore(%arg11 : memref<!tpu.dma_semaphore, #tpu.memory_space<semaphore_mem>>) src(%dma_wait3A_296 : memref<128x128xf32, #tpu.memory_space<vmem>>) dst(%dma_wait3A_292 : memref<128x128xf32, #tpu.memory_space<hbm>>)
    %dma_start3A_297 = arith.constant 8 : i32
    %dma_start3A_298 = arith.constant 0 : i32
    %dma_start3A_299 = arith.constant 0 : i32
    %dma_start3A_300 = arith.constant 0 : i32
    %dma_start3A_301 = tpu.memref_slice %arg6[%dma_start3A_298, %dma_start3A_299, %dma_start3A_300] : memref<4x128x128xf32, #tpu.memory_space<vmem>> -> memref<1x128x128xf32, #tpu.memory_space<vmem>>
    %dma_start3A_302 = tpu.memref_squeeze %dma_start3A_301 : memref<1x128x128xf32, #tpu.memory_space<vmem>> -> memref<128x128xf32, #tpu.memory_space<vmem>>
    %dma_start3A_303 = arith.constant 0 : i32
    %dma_start3A_304 = tpu.memref_slice %arg5[%dma_start3A_297, %dma_start3A_303] : memref<20x128xi32, #tpu.memory_space<vmem>> -> memref<1x128xi32, #tpu.memory_space<vmem>>
    %dma_start3A_305 = tpu.memref_squeeze %dma_start3A_304 : memref<1x128xi32, #tpu.memory_space<vmem>> -> memref<128xi32, #tpu.memory_space<vmem>>
    %dma_start3A_306 = arith.constant 0 : i32
    %dma_start3A_307 = arith.constant 0 : i32
    %dma_start3A_308 = tpu.memref_slice %arg3[%dma_start3A_306, %dma_start3A_307] : memref<1000000x128xf32, #tpu.memory_space<hbm>> -> memref<1000000x128xf32, #tpu.memory_space<hbm>>
    tpu.enqueue_indirect_dma source(%dma_start3A_308 : memref<1000000x128xf32, #tpu.memory_space<hbm>>) target(%dma_start3A_302 : memref<128x128xf32, #tpu.memory_space<vmem>>) offsets(%dma_start3A_305 : memref<128xi32, #tpu.memory_space<vmem>>) semaphore(%arg7 : memref<!tpu.dma_semaphore, #tpu.memory_space<semaphore_mem>>)
    %dma_wait3A_309 = arith.constant 5 : i32
    %dma_wait3A_310 = arith.constant 1 : i32
    %dma_wait3A_311 = arith.constant 0 : i32
    %dma_wait3A_312 = arith.constant 0 : i32
    %dma_wait3A_313 = tpu.memref_slice %arg6[%dma_wait3A_310, %dma_wait3A_311, %dma_wait3A_312] : memref<4x128x128xf32, #tpu.memory_space<vmem>> -> memref<1x128x128xf32, #tpu.memory_space<vmem>>
    %dma_wait3A_314 = tpu.memref_squeeze %dma_wait3A_313 : memref<1x128x128xf32, #tpu.memory_space<vmem>> -> memref<128x128xf32, #tpu.memory_space<vmem>>
    %dma_wait3A_315 = arith.constant 0 : i32
    %dma_wait3A_316 = tpu.memref_slice %arg5[%dma_wait3A_309, %dma_wait3A_315] : memref<20x128xi32, #tpu.memory_space<vmem>> -> memref<1x128xi32, #tpu.memory_space<vmem>>
    %dma_wait3A_317 = tpu.memref_squeeze %dma_wait3A_316 : memref<1x128xi32, #tpu.memory_space<vmem>> -> memref<128xi32, #tpu.memory_space<vmem>>
    %dma_wait3A_318 = arith.constant 0 : i32
    %dma_wait3A_319 = arith.constant 0 : i32
    %dma_wait3A_320 = tpu.memref_slice %arg3[%dma_wait3A_318, %dma_wait3A_319] : memref<1000000x128xf32, #tpu.memory_space<hbm>> -> memref<1000000x128xf32, #tpu.memory_space<hbm>>
    tpu.wait_indirect_dma semaphore(%arg8 : memref<!tpu.dma_semaphore, #tpu.memory_space<semaphore_mem>>) src(%dma_wait3A_320 : memref<1000000x128xf32, #tpu.memory_space<hbm>>) dst(%dma_wait3A_314 : memref<128x128xf32, #tpu.memory_space<vmem>>)
    %add3A_321 = arith.constant 640 : i32
    %add3A_322 = arith.addi %mul3A_2, %add3A_321 : i32
    %dma_start3A_323 = arith.constant 1 : i32
    %dma_start3A_324 = arith.constant 0 : i32
    %dma_start3A_325 = arith.constant 0 : i32
    %dma_start3A_326 = tpu.memref_slice %arg6[%dma_start3A_323, %dma_start3A_324, %dma_start3A_325] : memref<4x128x128xf32, #tpu.memory_space<vmem>> -> memref<1x128x128xf32, #tpu.memory_space<vmem>>
    %dma_start3A_327 = tpu.memref_squeeze %dma_start3A_326 : memref<1x128x128xf32, #tpu.memory_space<vmem>> -> memref<128x128xf32, #tpu.memory_space<vmem>>
    %dma_start3A_328 = arith.constant 0 : i32
    %dma_start3A_329 = tpu.memref_slice %arg4[%add3A_322, %dma_start3A_328] : memref<81920x128xf32, #tpu.memory_space<hbm>> -> memref<128x128xf32, #tpu.memory_space<hbm>>
    %dma_start3A_330 = arith.constant 0 : i32
    %dma_start3A_331 = tpu.memref_slice %arg4[%add3A_322, %dma_start3A_330] : memref<81920x128xf32, #tpu.memory_space<hbm>> -> memref<128x128xf32, #tpu.memory_space<hbm>>
    %dma_start3A_332 = arith.constant 0 : i32
    %dma_start3A_333 = arith.constant 0 : i32
    %dma_start3A_334 = tpu.memref_slice %arg6[%dma_start3A_323, %dma_start3A_332, %dma_start3A_333] : memref<4x128x128xf32, #tpu.memory_space<vmem>> -> memref<1x128x128xf32, #tpu.memory_space<vmem>>
    %dma_start3A_335 = tpu.memref_squeeze %dma_start3A_334 : memref<1x128x128xf32, #tpu.memory_space<vmem>> -> memref<128x128xf32, #tpu.memory_space<vmem>>
    tpu.enqueue_dma source(%dma_start3A_335 : memref<128x128xf32, #tpu.memory_space<vmem>>) target(%dma_start3A_331 : memref<128x128xf32, #tpu.memory_space<hbm>>) target_semaphore(%arg12 : memref<!tpu.dma_semaphore, #tpu.memory_space<semaphore_mem>>)
    %dma_wait3A_336 = arith.constant 1 : i32
    %dma_wait3A_337 = arith.constant 0 : i32
    %dma_wait3A_338 = arith.constant 0 : i32
    %dma_wait3A_339 = tpu.memref_slice %arg6[%dma_wait3A_336, %dma_wait3A_337, %dma_wait3A_338] : memref<4x128x128xf32, #tpu.memory_space<vmem>> -> memref<1x128x128xf32, #tpu.memory_space<vmem>>
    %dma_wait3A_340 = tpu.memref_squeeze %dma_wait3A_339 : memref<1x128x128xf32, #tpu.memory_space<vmem>> -> memref<128x128xf32, #tpu.memory_space<vmem>>
    %dma_wait3A_341 = arith.constant 0 : i32
    %dma_wait3A_342 = tpu.memref_slice %arg4[%add3A_322, %dma_wait3A_341] : memref<81920x128xf32, #tpu.memory_space<hbm>> -> memref<128x128xf32, #tpu.memory_space<hbm>>
    %dma_wait3A_343 = arith.constant 0 : i32
    %dma_wait3A_344 = tpu.memref_slice %arg4[%add3A_322, %dma_wait3A_343] : memref<81920x128xf32, #tpu.memory_space<hbm>> -> memref<128x128xf32, #tpu.memory_space<hbm>>
    %dma_wait3A_345 = arith.constant 0 : i32
    %dma_wait3A_346 = arith.constant 0 : i32
    %dma_wait3A_347 = tpu.memref_slice %arg6[%dma_wait3A_336, %dma_wait3A_345, %dma_wait3A_346] : memref<4x128x128xf32, #tpu.memory_space<vmem>> -> memref<1x128x128xf32, #tpu.memory_space<vmem>>
    %dma_wait3A_348 = tpu.memref_squeeze %dma_wait3A_347 : memref<1x128x128xf32, #tpu.memory_space<vmem>> -> memref<128x128xf32, #tpu.memory_space<vmem>>
    tpu.wait_dma2 semaphore(%arg12 : memref<!tpu.dma_semaphore, #tpu.memory_space<semaphore_mem>>) src(%dma_wait3A_348 : memref<128x128xf32, #tpu.memory_space<vmem>>) dst(%dma_wait3A_344 : memref<128x128xf32, #tpu.memory_space<hbm>>)
    %dma_start3A_349 = arith.constant 9 : i32
    %dma_start3A_350 = arith.constant 1 : i32
    %dma_start3A_351 = arith.constant 0 : i32
    %dma_start3A_352 = arith.constant 0 : i32
    %dma_start3A_353 = tpu.memref_slice %arg6[%dma_start3A_350, %dma_start3A_351, %dma_start3A_352] : memref<4x128x128xf32, #tpu.memory_space<vmem>> -> memref<1x128x128xf32, #tpu.memory_space<vmem>>
    %dma_start3A_354 = tpu.memref_squeeze %dma_start3A_353 : memref<1x128x128xf32, #tpu.memory_space<vmem>> -> memref<128x128xf32, #tpu.memory_space<vmem>>
    %dma_start3A_355 = arith.constant 0 : i32
    %dma_start3A_356 = tpu.memref_slice %arg5[%dma_start3A_349, %dma_start3A_355] : memref<20x128xi32, #tpu.memory_space<vmem>> -> memref<1x128xi32, #tpu.memory_space<vmem>>
    %dma_start3A_357 = tpu.memref_squeeze %dma_start3A_356 : memref<1x128xi32, #tpu.memory_space<vmem>> -> memref<128xi32, #tpu.memory_space<vmem>>
    %dma_start3A_358 = arith.constant 0 : i32
    %dma_start3A_359 = arith.constant 0 : i32
    %dma_start3A_360 = tpu.memref_slice %arg3[%dma_start3A_358, %dma_start3A_359] : memref<1000000x128xf32, #tpu.memory_space<hbm>> -> memref<1000000x128xf32, #tpu.memory_space<hbm>>
    tpu.enqueue_indirect_dma source(%dma_start3A_360 : memref<1000000x128xf32, #tpu.memory_space<hbm>>) target(%dma_start3A_354 : memref<128x128xf32, #tpu.memory_space<vmem>>) offsets(%dma_start3A_357 : memref<128xi32, #tpu.memory_space<vmem>>) semaphore(%arg8 : memref<!tpu.dma_semaphore, #tpu.memory_space<semaphore_mem>>)
    %dma_wait3A_361 = arith.constant 6 : i32
    %dma_wait3A_362 = arith.constant 2 : i32
    %dma_wait3A_363 = arith.constant 0 : i32
    %dma_wait3A_364 = arith.constant 0 : i32
    %dma_wait3A_365 = tpu.memref_slice %arg6[%dma_wait3A_362, %dma_wait3A_363, %dma_wait3A_364] : memref<4x128x128xf32, #tpu.memory_space<vmem>> -> memref<1x128x128xf32, #tpu.memory_space<vmem>>
    %dma_wait3A_366 = tpu.memref_squeeze %dma_wait3A_365 : memref<1x128x128xf32, #tpu.memory_space<vmem>> -> memref<128x128xf32, #tpu.memory_space<vmem>>
    %dma_wait3A_367 = arith.constant 0 : i32
    %dma_wait3A_368 = tpu.memref_slice %arg5[%dma_wait3A_361, %dma_wait3A_367] : memref<20x128xi32, #tpu.memory_space<vmem>> -> memref<1x128xi32, #tpu.memory_space<vmem>>
    %dma_wait3A_369 = tpu.memref_squeeze %dma_wait3A_368 : memref<1x128xi32, #tpu.memory_space<vmem>> -> memref<128xi32, #tpu.memory_space<vmem>>
    %dma_wait3A_370 = arith.constant 0 : i32
    %dma_wait3A_371 = arith.constant 0 : i32
    %dma_wait3A_372 = tpu.memref_slice %arg3[%dma_wait3A_370, %dma_wait3A_371] : memref<1000000x128xf32, #tpu.memory_space<hbm>> -> memref<1000000x128xf32, #tpu.memory_space<hbm>>
    tpu.wait_indirect_dma semaphore(%arg9 : memref<!tpu.dma_semaphore, #tpu.memory_space<semaphore_mem>>) src(%dma_wait3A_372 : memref<1000000x128xf32, #tpu.memory_space<hbm>>) dst(%dma_wait3A_366 : memref<128x128xf32, #tpu.memory_space<vmem>>)
    %add3A_373 = arith.constant 768 : i32
    %add3A_374 = arith.addi %mul3A_2, %add3A_373 : i32
    %dma_start3A_375 = arith.constant 2 : i32
    %dma_start3A_376 = arith.constant 0 : i32
    %dma_start3A_377 = arith.constant 0 : i32
    %dma_start3A_378 = tpu.memref_slice %arg6[%dma_start3A_375, %dma_start3A_376, %dma_start3A_377] : memref<4x128x128xf32, #tpu.memory_space<vmem>> -> memref<1x128x128xf32, #tpu.memory_space<vmem>>
    %dma_start3A_379 = tpu.memref_squeeze %dma_start3A_378 : memref<1x128x128xf32, #tpu.memory_space<vmem>> -> memref<128x128xf32, #tpu.memory_space<vmem>>
    %dma_start3A_380 = arith.constant 0 : i32
    %dma_start3A_381 = tpu.memref_slice %arg4[%add3A_374, %dma_start3A_380] : memref<81920x128xf32, #tpu.memory_space<hbm>> -> memref<128x128xf32, #tpu.memory_space<hbm>>
    %dma_start3A_382 = arith.constant 0 : i32
    %dma_start3A_383 = tpu.memref_slice %arg4[%add3A_374, %dma_start3A_382] : memref<81920x128xf32, #tpu.memory_space<hbm>> -> memref<128x128xf32, #tpu.memory_space<hbm>>
    %dma_start3A_384 = arith.constant 0 : i32
    %dma_start3A_385 = arith.constant 0 : i32
    %dma_start3A_386 = tpu.memref_slice %arg6[%dma_start3A_375, %dma_start3A_384, %dma_start3A_385] : memref<4x128x128xf32, #tpu.memory_space<vmem>> -> memref<1x128x128xf32, #tpu.memory_space<vmem>>
    %dma_start3A_387 = tpu.memref_squeeze %dma_start3A_386 : memref<1x128x128xf32, #tpu.memory_space<vmem>> -> memref<128x128xf32, #tpu.memory_space<vmem>>
    tpu.enqueue_dma source(%dma_start3A_387 : memref<128x128xf32, #tpu.memory_space<vmem>>) target(%dma_start3A_383 : memref<128x128xf32, #tpu.memory_space<hbm>>) target_semaphore(%arg13 : memref<!tpu.dma_semaphore, #tpu.memory_space<semaphore_mem>>)
    %dma_wait3A_388 = arith.constant 2 : i32
    %dma_wait3A_389 = arith.constant 0 : i32
    %dma_wait3A_390 = arith.constant 0 : i32
    %dma_wait3A_391 = tpu.memref_slice %arg6[%dma_wait3A_388, %dma_wait3A_389, %dma_wait3A_390] : memref<4x128x128xf32, #tpu.memory_space<vmem>> -> memref<1x128x128xf32, #tpu.memory_space<vmem>>
    %dma_wait3A_392 = tpu.memref_squeeze %dma_wait3A_391 : memref<1x128x128xf32, #tpu.memory_space<vmem>> -> memref<128x128xf32, #tpu.memory_space<vmem>>
    %dma_wait3A_393 = arith.constant 0 : i32
    %dma_wait3A_394 = tpu.memref_slice %arg4[%add3A_374, %dma_wait3A_393] : memref<81920x128xf32, #tpu.memory_space<hbm>> -> memref<128x128xf32, #tpu.memory_space<hbm>>
    %dma_wait3A_395 = arith.constant 0 : i32
    %dma_wait3A_396 = tpu.memref_slice %arg4[%add3A_374, %dma_wait3A_395] : memref<81920x128xf32, #tpu.memory_space<hbm>> -> memref<128x128xf32, #tpu.memory_space<hbm>>
    %dma_wait3A_397 = arith.constant 0 : i32
    %dma_wait3A_398 = arith.constant 0 : i32
    %dma_wait3A_399 = tpu.memref_slice %arg6[%dma_wait3A_388, %dma_wait3A_397, %dma_wait3A_398] : memref<4x128x128xf32, #tpu.memory_space<vmem>> -> memref<1x128x128xf32, #tpu.memory_space<vmem>>
    %dma_wait3A_400 = tpu.memref_squeeze %dma_wait3A_399 : memref<1x128x128xf32, #tpu.memory_space<vmem>> -> memref<128x128xf32, #tpu.memory_space<vmem>>
    tpu.wait_dma2 semaphore(%arg13 : memref<!tpu.dma_semaphore, #tpu.memory_space<semaphore_mem>>) src(%dma_wait3A_400 : memref<128x128xf32, #tpu.memory_space<vmem>>) dst(%dma_wait3A_396 : memref<128x128xf32, #tpu.memory_space<hbm>>)
    %dma_start3A_401 = arith.constant 10 : i32
    %dma_start3A_402 = arith.constant 2 : i32
    %dma_start3A_403 = arith.constant 0 : i32
    %dma_start3A_404 = arith.constant 0 : i32
    %dma_start3A_405 = tpu.memref_slice %arg6[%dma_start3A_402, %dma_start3A_403, %dma_start3A_404] : memref<4x128x128xf32, #tpu.memory_space<vmem>> -> memref<1x128x128xf32, #tpu.memory_space<vmem>>
    %dma_start3A_406 = tpu.memref_squeeze %dma_start3A_405 : memref<1x128x128xf32, #tpu.memory_space<vmem>> -> memref<128x128xf32, #tpu.memory_space<vmem>>
    %dma_start3A_407 = arith.constant 0 : i32
    %dma_start3A_408 = tpu.memref_slice %arg5[%dma_start3A_401, %dma_start3A_407] : memref<20x128xi32, #tpu.memory_space<vmem>> -> memref<1x128xi32, #tpu.memory_space<vmem>>
    %dma_start3A_409 = tpu.memref_squeeze %dma_start3A_408 : memref<1x128xi32, #tpu.memory_space<vmem>> -> memref<128xi32, #tpu.memory_space<vmem>>
    %dma_start3A_410 = arith.constant 0 : i32
    %dma_start3A_411 = arith.constant 0 : i32
    %dma_start3A_412 = tpu.memref_slice %arg3[%dma_start3A_410, %dma_start3A_411] : memref<1000000x128xf32, #tpu.memory_space<hbm>> -> memref<1000000x128xf32, #tpu.memory_space<hbm>>
    tpu.enqueue_indirect_dma source(%dma_start3A_412 : memref<1000000x128xf32, #tpu.memory_space<hbm>>) target(%dma_start3A_406 : memref<128x128xf32, #tpu.memory_space<vmem>>) offsets(%dma_start3A_409 : memref<128xi32, #tpu.memory_space<vmem>>) semaphore(%arg9 : memref<!tpu.dma_semaphore, #tpu.memory_space<semaphore_mem>>)
    %dma_wait3A_413 = arith.constant 7 : i32
    %dma_wait3A_414 = arith.constant 3 : i32
    %dma_wait3A_415 = arith.constant 0 : i32
    %dma_wait3A_416 = arith.constant 0 : i32
    %dma_wait3A_417 = tpu.memref_slice %arg6[%dma_wait3A_414, %dma_wait3A_415, %dma_wait3A_416] : memref<4x128x128xf32, #tpu.memory_space<vmem>> -> memref<1x128x128xf32, #tpu.memory_space<vmem>>
    %dma_wait3A_418 = tpu.memref_squeeze %dma_wait3A_417 : memref<1x128x128xf32, #tpu.memory_space<vmem>> -> memref<128x128xf32, #tpu.memory_space<vmem>>
    %dma_wait3A_419 = arith.constant 0 : i32
    %dma_wait3A_420 = tpu.memref_slice %arg5[%dma_wait3A_413, %dma_wait3A_419] : memref<20x128xi32, #tpu.memory_space<vmem>> -> memref<1x128xi32, #tpu.memory_space<vmem>>
    %dma_wait3A_421 = tpu.memref_squeeze %dma_wait3A_420 : memref<1x128xi32, #tpu.memory_space<vmem>> -> memref<128xi32, #tpu.memory_space<vmem>>
    %dma_wait3A_422 = arith.constant 0 : i32
    %dma_wait3A_423 = arith.constant 0 : i32
    %dma_wait3A_424 = tpu.memref_slice %arg3[%dma_wait3A_422, %dma_wait3A_423] : memref<1000000x128xf32, #tpu.memory_space<hbm>> -> memref<1000000x128xf32, #tpu.memory_space<hbm>>
    tpu.wait_indirect_dma semaphore(%arg10 : memref<!tpu.dma_semaphore, #tpu.memory_space<semaphore_mem>>) src(%dma_wait3A_424 : memref<1000000x128xf32, #tpu.memory_space<hbm>>) dst(%dma_wait3A_418 : memref<128x128xf32, #tpu.memory_space<vmem>>)
    %add3A_425 = arith.constant 896 : i32
    %add3A_426 = arith.addi %mul3A_2, %add3A_425 : i32
    %dma_start3A_427 = arith.constant 3 : i32
    %dma_start3A_428 = arith.constant 0 : i32
    %dma_start3A_429 = arith.constant 0 : i32
    %dma_start3A_430 = tpu.memref_slice %arg6[%dma_start3A_427, %dma_start3A_428, %dma_start3A_429] : memref<4x128x128xf32, #tpu.memory_space<vmem>> -> memref<1x128x128xf32, #tpu.memory_space<vmem>>
    %dma_start3A_431 = tpu.memref_squeeze %dma_start3A_430 : memref<1x128x128xf32, #tpu.memory_space<vmem>> -> memref<128x128xf32, #tpu.memory_space<vmem>>
    %dma_start3A_432 = arith.constant 0 : i32
    %dma_start3A_433 = tpu.memref_slice %arg4[%add3A_426, %dma_start3A_432] : memref<81920x128xf32, #tpu.memory_space<hbm>> -> memref<128x128xf32, #tpu.memory_space<hbm>>
    %dma_start3A_434 = arith.constant 0 : i32
    %dma_start3A_435 = tpu.memref_slice %arg4[%add3A_426, %dma_start3A_434] : memref<81920x128xf32, #tpu.memory_space<hbm>> -> memref<128x128xf32, #tpu.memory_space<hbm>>
    %dma_start3A_436 = arith.constant 0 : i32
    %dma_start3A_437 = arith.constant 0 : i32
    %dma_start3A_438 = tpu.memref_slice %arg6[%dma_start3A_427, %dma_start3A_436, %dma_start3A_437] : memref<4x128x128xf32, #tpu.memory_space<vmem>> -> memref<1x128x128xf32, #tpu.memory_space<vmem>>
    %dma_start3A_439 = tpu.memref_squeeze %dma_start3A_438 : memref<1x128x128xf32, #tpu.memory_space<vmem>> -> memref<128x128xf32, #tpu.memory_space<vmem>>
    tpu.enqueue_dma source(%dma_start3A_439 : memref<128x128xf32, #tpu.memory_space<vmem>>) target(%dma_start3A_435 : memref<128x128xf32, #tpu.memory_space<hbm>>) target_semaphore(%arg14 : memref<!tpu.dma_semaphore, #tpu.memory_space<semaphore_mem>>)
    %dma_wait3A_440 = arith.constant 3 : i32
    %dma_wait3A_441 = arith.constant 0 : i32
    %dma_wait3A_442 = arith.constant 0 : i32
    %dma_wait3A_443 = tpu.memref_slice %arg6[%dma_wait3A_440, %dma_wait3A_441, %dma_wait3A_442] : memref<4x128x128xf32, #tpu.memory_space<vmem>> -> memref<1x128x128xf32, #tpu.memory_space<vmem>>
    %dma_wait3A_444 = tpu.memref_squeeze %dma_wait3A_443 : memref<1x128x128xf32, #tpu.memory_space<vmem>> -> memref<128x128xf32, #tpu.memory_space<vmem>>
    %dma_wait3A_445 = arith.constant 0 : i32
    %dma_wait3A_446 = tpu.memref_slice %arg4[%add3A_426, %dma_wait3A_445] : memref<81920x128xf32, #tpu.memory_space<hbm>> -> memref<128x128xf32, #tpu.memory_space<hbm>>
    %dma_wait3A_447 = arith.constant 0 : i32
    %dma_wait3A_448 = tpu.memref_slice %arg4[%add3A_426, %dma_wait3A_447] : memref<81920x128xf32, #tpu.memory_space<hbm>> -> memref<128x128xf32, #tpu.memory_space<hbm>>
    %dma_wait3A_449 = arith.constant 0 : i32
    %dma_wait3A_450 = arith.constant 0 : i32
    %dma_wait3A_451 = tpu.memref_slice %arg6[%dma_wait3A_440, %dma_wait3A_449, %dma_wait3A_450] : memref<4x128x128xf32, #tpu.memory_space<vmem>> -> memref<1x128x128xf32, #tpu.memory_space<vmem>>
    %dma_wait3A_452 = tpu.memref_squeeze %dma_wait3A_451 : memref<1x128x128xf32, #tpu.memory_space<vmem>> -> memref<128x128xf32, #tpu.memory_space<vmem>>
    tpu.wait_dma2 semaphore(%arg14 : memref<!tpu.dma_semaphore, #tpu.memory_space<semaphore_mem>>) src(%dma_wait3A_452 : memref<128x128xf32, #tpu.memory_space<vmem>>) dst(%dma_wait3A_448 : memref<128x128xf32, #tpu.memory_space<hbm>>)
    %dma_start3A_453 = arith.constant 11 : i32
    %dma_start3A_454 = arith.constant 3 : i32
    %dma_start3A_455 = arith.constant 0 : i32
    %dma_start3A_456 = arith.constant 0 : i32
    %dma_start3A_457 = tpu.memref_slice %arg6[%dma_start3A_454, %dma_start3A_455, %dma_start3A_456] : memref<4x128x128xf32, #tpu.memory_space<vmem>> -> memref<1x128x128xf32, #tpu.memory_space<vmem>>
    %dma_start3A_458 = tpu.memref_squeeze %dma_start3A_457 : memref<1x128x128xf32, #tpu.memory_space<vmem>> -> memref<128x128xf32, #tpu.memory_space<vmem>>
    %dma_start3A_459 = arith.constant 0 : i32
    %dma_start3A_460 = tpu.memref_slice %arg5[%dma_start3A_453, %dma_start3A_459] : memref<20x128xi32, #tpu.memory_space<vmem>> -> memref<1x128xi32, #tpu.memory_space<vmem>>
    %dma_start3A_461 = tpu.memref_squeeze %dma_start3A_460 : memref<1x128xi32, #tpu.memory_space<vmem>> -> memref<128xi32, #tpu.memory_space<vmem>>
    %dma_start3A_462 = arith.constant 0 : i32
    %dma_start3A_463 = arith.constant 0 : i32
    %dma_start3A_464 = tpu.memref_slice %arg3[%dma_start3A_462, %dma_start3A_463] : memref<1000000x128xf32, #tpu.memory_space<hbm>> -> memref<1000000x128xf32, #tpu.memory_space<hbm>>
    tpu.enqueue_indirect_dma source(%dma_start3A_464 : memref<1000000x128xf32, #tpu.memory_space<hbm>>) target(%dma_start3A_458 : memref<128x128xf32, #tpu.memory_space<vmem>>) offsets(%dma_start3A_461 : memref<128xi32, #tpu.memory_space<vmem>>) semaphore(%arg10 : memref<!tpu.dma_semaphore, #tpu.memory_space<semaphore_mem>>)
    %dma_wait3A_465 = arith.constant 8 : i32
    %dma_wait3A_466 = arith.constant 0 : i32
    %dma_wait3A_467 = arith.constant 0 : i32
    %dma_wait3A_468 = arith.constant 0 : i32
    %dma_wait3A_469 = tpu.memref_slice %arg6[%dma_wait3A_466, %dma_wait3A_467, %dma_wait3A_468] : memref<4x128x128xf32, #tpu.memory_space<vmem>> -> memref<1x128x128xf32, #tpu.memory_space<vmem>>
    %dma_wait3A_470 = tpu.memref_squeeze %dma_wait3A_469 : memref<1x128x128xf32, #tpu.memory_space<vmem>> -> memref<128x128xf32, #tpu.memory_space<vmem>>
    %dma_wait3A_471 = arith.constant 0 : i32
    %dma_wait3A_472 = tpu.memref_slice %arg5[%dma_wait3A_465, %dma_wait3A_471] : memref<20x128xi32, #tpu.memory_space<vmem>> -> memref<1x128xi32, #tpu.memory_space<vmem>>
    %dma_wait3A_473 = tpu.memref_squeeze %dma_wait3A_472 : memref<1x128xi32, #tpu.memory_space<vmem>> -> memref<128xi32, #tpu.memory_space<vmem>>
    %dma_wait3A_474 = arith.constant 0 : i32
    %dma_wait3A_475 = arith.constant 0 : i32
    %dma_wait3A_476 = tpu.memref_slice %arg3[%dma_wait3A_474, %dma_wait3A_475] : memref<1000000x128xf32, #tpu.memory_space<hbm>> -> memref<1000000x128xf32, #tpu.memory_space<hbm>>
    tpu.wait_indirect_dma semaphore(%arg7 : memref<!tpu.dma_semaphore, #tpu.memory_space<semaphore_mem>>) src(%dma_wait3A_476 : memref<1000000x128xf32, #tpu.memory_space<hbm>>) dst(%dma_wait3A_470 : memref<128x128xf32, #tpu.memory_space<vmem>>)
    %add3A_477 = arith.constant 1024 : i32
    %add3A_478 = arith.addi %mul3A_2, %add3A_477 : i32
    %dma_start3A_479 = arith.constant 0 : i32
    %dma_start3A_480 = arith.constant 0 : i32
    %dma_start3A_481 = arith.constant 0 : i32
    %dma_start3A_482 = tpu.memref_slice %arg6[%dma_start3A_479, %dma_start3A_480, %dma_start3A_481] : memref<4x128x128xf32, #tpu.memory_space<vmem>> -> memref<1x128x128xf32, #tpu.memory_space<vmem>>
    %dma_start3A_483 = tpu.memref_squeeze %dma_start3A_482 : memref<1x128x128xf32, #tpu.memory_space<vmem>> -> memref<128x128xf32, #tpu.memory_space<vmem>>
    %dma_start3A_484 = arith.constant 0 : i32
    %dma_start3A_485 = tpu.memref_slice %arg4[%add3A_478, %dma_start3A_484] : memref<81920x128xf32, #tpu.memory_space<hbm>> -> memref<128x128xf32, #tpu.memory_space<hbm>>
    %dma_start3A_486 = arith.constant 0 : i32
    %dma_start3A_487 = tpu.memref_slice %arg4[%add3A_478, %dma_start3A_486] : memref<81920x128xf32, #tpu.memory_space<hbm>> -> memref<128x128xf32, #tpu.memory_space<hbm>>
    %dma_start3A_488 = arith.constant 0 : i32
    %dma_start3A_489 = arith.constant 0 : i32
    %dma_start3A_490 = tpu.memref_slice %arg6[%dma_start3A_479, %dma_start3A_488, %dma_start3A_489] : memref<4x128x128xf32, #tpu.memory_space<vmem>> -> memref<1x128x128xf32, #tpu.memory_space<vmem>>
    %dma_start3A_491 = tpu.memref_squeeze %dma_start3A_490 : memref<1x128x128xf32, #tpu.memory_space<vmem>> -> memref<128x128xf32, #tpu.memory_space<vmem>>
    tpu.enqueue_dma source(%dma_start3A_491 : memref<128x128xf32, #tpu.memory_space<vmem>>) target(%dma_start3A_487 : memref<128x128xf32, #tpu.memory_space<hbm>>) target_semaphore(%arg11 : memref<!tpu.dma_semaphore, #tpu.memory_space<semaphore_mem>>)
    %dma_wait3A_492 = arith.constant 0 : i32
    %dma_wait3A_493 = arith.constant 0 : i32
    %dma_wait3A_494 = arith.constant 0 : i32
    %dma_wait3A_495 = tpu.memref_slice %arg6[%dma_wait3A_492, %dma_wait3A_493, %dma_wait3A_494] : memref<4x128x128xf32, #tpu.memory_space<vmem>> -> memref<1x128x128xf32, #tpu.memory_space<vmem>>
    %dma_wait3A_496 = tpu.memref_squeeze %dma_wait3A_495 : memref<1x128x128xf32, #tpu.memory_space<vmem>> -> memref<128x128xf32, #tpu.memory_space<vmem>>
    %dma_wait3A_497 = arith.constant 0 : i32
    %dma_wait3A_498 = tpu.memref_slice %arg4[%add3A_478, %dma_wait3A_497] : memref<81920x128xf32, #tpu.memory_space<hbm>> -> memref<128x128xf32, #tpu.memory_space<hbm>>
    %dma_wait3A_499 = arith.constant 0 : i32
    %dma_wait3A_500 = tpu.memref_slice %arg4[%add3A_478, %dma_wait3A_499] : memref<81920x128xf32, #tpu.memory_space<hbm>> -> memref<128x128xf32, #tpu.memory_space<hbm>>
    %dma_wait3A_501 = arith.constant 0 : i32
    %dma_wait3A_502 = arith.constant 0 : i32
    %dma_wait3A_503 = tpu.memref_slice %arg6[%dma_wait3A_492, %dma_wait3A_501, %dma_wait3A_502] : memref<4x128x128xf32, #tpu.memory_space<vmem>> -> memref<1x128x128xf32, #tpu.memory_space<vmem>>
    %dma_wait3A_504 = tpu.memref_squeeze %dma_wait3A_503 : memref<1x128x128xf32, #tpu.memory_space<vmem>> -> memref<128x128xf32, #tpu.memory_space<vmem>>
    tpu.wait_dma2 semaphore(%arg11 : memref<!tpu.dma_semaphore, #tpu.memory_space<semaphore_mem>>) src(%dma_wait3A_504 : memref<128x128xf32, #tpu.memory_space<vmem>>) dst(%dma_wait3A_500 : memref<128x128xf32, #tpu.memory_space<hbm>>)
    %dma_start3A_505 = arith.constant 12 : i32
    %dma_start3A_506 = arith.constant 0 : i32
    %dma_start3A_507 = arith.constant 0 : i32
    %dma_start3A_508 = arith.constant 0 : i32
    %dma_start3A_509 = tpu.memref_slice %arg6[%dma_start3A_506, %dma_start3A_507, %dma_start3A_508] : memref<4x128x128xf32, #tpu.memory_space<vmem>> -> memref<1x128x128xf32, #tpu.memory_space<vmem>>
    %dma_start3A_510 = tpu.memref_squeeze %dma_start3A_509 : memref<1x128x128xf32, #tpu.memory_space<vmem>> -> memref<128x128xf32, #tpu.memory_space<vmem>>
    %dma_start3A_511 = arith.constant 0 : i32
    %dma_start3A_512 = tpu.memref_slice %arg5[%dma_start3A_505, %dma_start3A_511] : memref<20x128xi32, #tpu.memory_space<vmem>> -> memref<1x128xi32, #tpu.memory_space<vmem>>
    %dma_start3A_513 = tpu.memref_squeeze %dma_start3A_512 : memref<1x128xi32, #tpu.memory_space<vmem>> -> memref<128xi32, #tpu.memory_space<vmem>>
    %dma_start3A_514 = arith.constant 0 : i32
    %dma_start3A_515 = arith.constant 0 : i32
    %dma_start3A_516 = tpu.memref_slice %arg3[%dma_start3A_514, %dma_start3A_515] : memref<1000000x128xf32, #tpu.memory_space<hbm>> -> memref<1000000x128xf32, #tpu.memory_space<hbm>>
    tpu.enqueue_indirect_dma source(%dma_start3A_516 : memref<1000000x128xf32, #tpu.memory_space<hbm>>) target(%dma_start3A_510 : memref<128x128xf32, #tpu.memory_space<vmem>>) offsets(%dma_start3A_513 : memref<128xi32, #tpu.memory_space<vmem>>) semaphore(%arg7 : memref<!tpu.dma_semaphore, #tpu.memory_space<semaphore_mem>>)
    %dma_wait3A_517 = arith.constant 9 : i32
    %dma_wait3A_518 = arith.constant 1 : i32
    %dma_wait3A_519 = arith.constant 0 : i32
    %dma_wait3A_520 = arith.constant 0 : i32
    %dma_wait3A_521 = tpu.memref_slice %arg6[%dma_wait3A_518, %dma_wait3A_519, %dma_wait3A_520] : memref<4x128x128xf32, #tpu.memory_space<vmem>> -> memref<1x128x128xf32, #tpu.memory_space<vmem>>
    %dma_wait3A_522 = tpu.memref_squeeze %dma_wait3A_521 : memref<1x128x128xf32, #tpu.memory_space<vmem>> -> memref<128x128xf32, #tpu.memory_space<vmem>>
    %dma_wait3A_523 = arith.constant 0 : i32
    %dma_wait3A_524 = tpu.memref_slice %arg5[%dma_wait3A_517, %dma_wait3A_523] : memref<20x128xi32, #tpu.memory_space<vmem>> -> memref<1x128xi32, #tpu.memory_space<vmem>>
    %dma_wait3A_525 = tpu.memref_squeeze %dma_wait3A_524 : memref<1x128xi32, #tpu.memory_space<vmem>> -> memref<128xi32, #tpu.memory_space<vmem>>
    %dma_wait3A_526 = arith.constant 0 : i32
    %dma_wait3A_527 = arith.constant 0 : i32
    %dma_wait3A_528 = tpu.memref_slice %arg3[%dma_wait3A_526, %dma_wait3A_527] : memref<1000000x128xf32, #tpu.memory_space<hbm>> -> memref<1000000x128xf32, #tpu.memory_space<hbm>>
    tpu.wait_indirect_dma semaphore(%arg8 : memref<!tpu.dma_semaphore, #tpu.memory_space<semaphore_mem>>) src(%dma_wait3A_528 : memref<1000000x128xf32, #tpu.memory_space<hbm>>) dst(%dma_wait3A_522 : memref<128x128xf32, #tpu.memory_space<vmem>>)
    %add3A_529 = arith.constant 1152 : i32
    %add3A_530 = arith.addi %mul3A_2, %add3A_529 : i32
    %dma_start3A_531 = arith.constant 1 : i32
    %dma_start3A_532 = arith.constant 0 : i32
    %dma_start3A_533 = arith.constant 0 : i32
    %dma_start3A_534 = tpu.memref_slice %arg6[%dma_start3A_531, %dma_start3A_532, %dma_start3A_533] : memref<4x128x128xf32, #tpu.memory_space<vmem>> -> memref<1x128x128xf32, #tpu.memory_space<vmem>>
    %dma_start3A_535 = tpu.memref_squeeze %dma_start3A_534 : memref<1x128x128xf32, #tpu.memory_space<vmem>> -> memref<128x128xf32, #tpu.memory_space<vmem>>
    %dma_start3A_536 = arith.constant 0 : i32
    %dma_start3A_537 = tpu.memref_slice %arg4[%add3A_530, %dma_start3A_536] : memref<81920x128xf32, #tpu.memory_space<hbm>> -> memref<128x128xf32, #tpu.memory_space<hbm>>
    %dma_start3A_538 = arith.constant 0 : i32
    %dma_start3A_539 = tpu.memref_slice %arg4[%add3A_530, %dma_start3A_538] : memref<81920x128xf32, #tpu.memory_space<hbm>> -> memref<128x128xf32, #tpu.memory_space<hbm>>
    %dma_start3A_540 = arith.constant 0 : i32
    %dma_start3A_541 = arith.constant 0 : i32
    %dma_start3A_542 = tpu.memref_slice %arg6[%dma_start3A_531, %dma_start3A_540, %dma_start3A_541] : memref<4x128x128xf32, #tpu.memory_space<vmem>> -> memref<1x128x128xf32, #tpu.memory_space<vmem>>
    %dma_start3A_543 = tpu.memref_squeeze %dma_start3A_542 : memref<1x128x128xf32, #tpu.memory_space<vmem>> -> memref<128x128xf32, #tpu.memory_space<vmem>>
    tpu.enqueue_dma source(%dma_start3A_543 : memref<128x128xf32, #tpu.memory_space<vmem>>) target(%dma_start3A_539 : memref<128x128xf32, #tpu.memory_space<hbm>>) target_semaphore(%arg12 : memref<!tpu.dma_semaphore, #tpu.memory_space<semaphore_mem>>)
    %dma_wait3A_544 = arith.constant 1 : i32
    %dma_wait3A_545 = arith.constant 0 : i32
    %dma_wait3A_546 = arith.constant 0 : i32
    %dma_wait3A_547 = tpu.memref_slice %arg6[%dma_wait3A_544, %dma_wait3A_545, %dma_wait3A_546] : memref<4x128x128xf32, #tpu.memory_space<vmem>> -> memref<1x128x128xf32, #tpu.memory_space<vmem>>
    %dma_wait3A_548 = tpu.memref_squeeze %dma_wait3A_547 : memref<1x128x128xf32, #tpu.memory_space<vmem>> -> memref<128x128xf32, #tpu.memory_space<vmem>>
    %dma_wait3A_549 = arith.constant 0 : i32
    %dma_wait3A_550 = tpu.memref_slice %arg4[%add3A_530, %dma_wait3A_549] : memref<81920x128xf32, #tpu.memory_space<hbm>> -> memref<128x128xf32, #tpu.memory_space<hbm>>
    %dma_wait3A_551 = arith.constant 0 : i32
    %dma_wait3A_552 = tpu.memref_slice %arg4[%add3A_530, %dma_wait3A_551] : memref<81920x128xf32, #tpu.memory_space<hbm>> -> memref<128x128xf32, #tpu.memory_space<hbm>>
    %dma_wait3A_553 = arith.constant 0 : i32
    %dma_wait3A_554 = arith.constant 0 : i32
    %dma_wait3A_555 = tpu.memref_slice %arg6[%dma_wait3A_544, %dma_wait3A_553, %dma_wait3A_554] : memref<4x128x128xf32, #tpu.memory_space<vmem>> -> memref<1x128x128xf32, #tpu.memory_space<vmem>>
    %dma_wait3A_556 = tpu.memref_squeeze %dma_wait3A_555 : memref<1x128x128xf32, #tpu.memory_space<vmem>> -> memref<128x128xf32, #tpu.memory_space<vmem>>
    tpu.wait_dma2 semaphore(%arg12 : memref<!tpu.dma_semaphore, #tpu.memory_space<semaphore_mem>>) src(%dma_wait3A_556 : memref<128x128xf32, #tpu.memory_space<vmem>>) dst(%dma_wait3A_552 : memref<128x128xf32, #tpu.memory_space<hbm>>)
    %dma_start3A_557 = arith.constant 13 : i32
    %dma_start3A_558 = arith.constant 1 : i32
    %dma_start3A_559 = arith.constant 0 : i32
    %dma_start3A_560 = arith.constant 0 : i32
    %dma_start3A_561 = tpu.memref_slice %arg6[%dma_start3A_558, %dma_start3A_559, %dma_start3A_560] : memref<4x128x128xf32, #tpu.memory_space<vmem>> -> memref<1x128x128xf32, #tpu.memory_space<vmem>>
    %dma_start3A_562 = tpu.memref_squeeze %dma_start3A_561 : memref<1x128x128xf32, #tpu.memory_space<vmem>> -> memref<128x128xf32, #tpu.memory_space<vmem>>
    %dma_start3A_563 = arith.constant 0 : i32
    %dma_start3A_564 = tpu.memref_slice %arg5[%dma_start3A_557, %dma_start3A_563] : memref<20x128xi32, #tpu.memory_space<vmem>> -> memref<1x128xi32, #tpu.memory_space<vmem>>
    %dma_start3A_565 = tpu.memref_squeeze %dma_start3A_564 : memref<1x128xi32, #tpu.memory_space<vmem>> -> memref<128xi32, #tpu.memory_space<vmem>>
    %dma_start3A_566 = arith.constant 0 : i32
    %dma_start3A_567 = arith.constant 0 : i32
    %dma_start3A_568 = tpu.memref_slice %arg3[%dma_start3A_566, %dma_start3A_567] : memref<1000000x128xf32, #tpu.memory_space<hbm>> -> memref<1000000x128xf32, #tpu.memory_space<hbm>>
    tpu.enqueue_indirect_dma source(%dma_start3A_568 : memref<1000000x128xf32, #tpu.memory_space<hbm>>) target(%dma_start3A_562 : memref<128x128xf32, #tpu.memory_space<vmem>>) offsets(%dma_start3A_565 : memref<128xi32, #tpu.memory_space<vmem>>) semaphore(%arg8 : memref<!tpu.dma_semaphore, #tpu.memory_space<semaphore_mem>>)
    %dma_wait3A_569 = arith.constant 10 : i32
    %dma_wait3A_570 = arith.constant 2 : i32
    %dma_wait3A_571 = arith.constant 0 : i32
    %dma_wait3A_572 = arith.constant 0 : i32
    %dma_wait3A_573 = tpu.memref_slice %arg6[%dma_wait3A_570, %dma_wait3A_571, %dma_wait3A_572] : memref<4x128x128xf32, #tpu.memory_space<vmem>> -> memref<1x128x128xf32, #tpu.memory_space<vmem>>
    %dma_wait3A_574 = tpu.memref_squeeze %dma_wait3A_573 : memref<1x128x128xf32, #tpu.memory_space<vmem>> -> memref<128x128xf32, #tpu.memory_space<vmem>>
    %dma_wait3A_575 = arith.constant 0 : i32
    %dma_wait3A_576 = tpu.memref_slice %arg5[%dma_wait3A_569, %dma_wait3A_575] : memref<20x128xi32, #tpu.memory_space<vmem>> -> memref<1x128xi32, #tpu.memory_space<vmem>>
    %dma_wait3A_577 = tpu.memref_squeeze %dma_wait3A_576 : memref<1x128xi32, #tpu.memory_space<vmem>> -> memref<128xi32, #tpu.memory_space<vmem>>
    %dma_wait3A_578 = arith.constant 0 : i32
    %dma_wait3A_579 = arith.constant 0 : i32
    %dma_wait3A_580 = tpu.memref_slice %arg3[%dma_wait3A_578, %dma_wait3A_579] : memref<1000000x128xf32, #tpu.memory_space<hbm>> -> memref<1000000x128xf32, #tpu.memory_space<hbm>>
    tpu.wait_indirect_dma semaphore(%arg9 : memref<!tpu.dma_semaphore, #tpu.memory_space<semaphore_mem>>) src(%dma_wait3A_580 : memref<1000000x128xf32, #tpu.memory_space<hbm>>) dst(%dma_wait3A_574 : memref<128x128xf32, #tpu.memory_space<vmem>>)
    %add3A_581 = arith.constant 1280 : i32
    %add3A_582 = arith.addi %mul3A_2, %add3A_581 : i32
    %dma_start3A_583 = arith.constant 2 : i32
    %dma_start3A_584 = arith.constant 0 : i32
    %dma_start3A_585 = arith.constant 0 : i32
    %dma_start3A_586 = tpu.memref_slice %arg6[%dma_start3A_583, %dma_start3A_584, %dma_start3A_585] : memref<4x128x128xf32, #tpu.memory_space<vmem>> -> memref<1x128x128xf32, #tpu.memory_space<vmem>>
    %dma_start3A_587 = tpu.memref_squeeze %dma_start3A_586 : memref<1x128x128xf32, #tpu.memory_space<vmem>> -> memref<128x128xf32, #tpu.memory_space<vmem>>
    %dma_start3A_588 = arith.constant 0 : i32
    %dma_start3A_589 = tpu.memref_slice %arg4[%add3A_582, %dma_start3A_588] : memref<81920x128xf32, #tpu.memory_space<hbm>> -> memref<128x128xf32, #tpu.memory_space<hbm>>
    %dma_start3A_590 = arith.constant 0 : i32
    %dma_start3A_591 = tpu.memref_slice %arg4[%add3A_582, %dma_start3A_590] : memref<81920x128xf32, #tpu.memory_space<hbm>> -> memref<128x128xf32, #tpu.memory_space<hbm>>
    %dma_start3A_592 = arith.constant 0 : i32
    %dma_start3A_593 = arith.constant 0 : i32
    %dma_start3A_594 = tpu.memref_slice %arg6[%dma_start3A_583, %dma_start3A_592, %dma_start3A_593] : memref<4x128x128xf32, #tpu.memory_space<vmem>> -> memref<1x128x128xf32, #tpu.memory_space<vmem>>
    %dma_start3A_595 = tpu.memref_squeeze %dma_start3A_594 : memref<1x128x128xf32, #tpu.memory_space<vmem>> -> memref<128x128xf32, #tpu.memory_space<vmem>>
    tpu.enqueue_dma source(%dma_start3A_595 : memref<128x128xf32, #tpu.memory_space<vmem>>) target(%dma_start3A_591 : memref<128x128xf32, #tpu.memory_space<hbm>>) target_semaphore(%arg13 : memref<!tpu.dma_semaphore, #tpu.memory_space<semaphore_mem>>)
    %dma_wait3A_596 = arith.constant 2 : i32
    %dma_wait3A_597 = arith.constant 0 : i32
    %dma_wait3A_598 = arith.constant 0 : i32
    %dma_wait3A_599 = tpu.memref_slice %arg6[%dma_wait3A_596, %dma_wait3A_597, %dma_wait3A_598] : memref<4x128x128xf32, #tpu.memory_space<vmem>> -> memref<1x128x128xf32, #tpu.memory_space<vmem>>
    %dma_wait3A_600 = tpu.memref_squeeze %dma_wait3A_599 : memref<1x128x128xf32, #tpu.memory_space<vmem>> -> memref<128x128xf32, #tpu.memory_space<vmem>>
    %dma_wait3A_601 = arith.constant 0 : i32
    %dma_wait3A_602 = tpu.memref_slice %arg4[%add3A_582, %dma_wait3A_601] : memref<81920x128xf32, #tpu.memory_space<hbm>> -> memref<128x128xf32, #tpu.memory_space<hbm>>
    %dma_wait3A_603 = arith.constant 0 : i32
    %dma_wait3A_604 = tpu.memref_slice %arg4[%add3A_582, %dma_wait3A_603] : memref<81920x128xf32, #tpu.memory_space<hbm>> -> memref<128x128xf32, #tpu.memory_space<hbm>>
    %dma_wait3A_605 = arith.constant 0 : i32
    %dma_wait3A_606 = arith.constant 0 : i32
    %dma_wait3A_607 = tpu.memref_slice %arg6[%dma_wait3A_596, %dma_wait3A_605, %dma_wait3A_606] : memref<4x128x128xf32, #tpu.memory_space<vmem>> -> memref<1x128x128xf32, #tpu.memory_space<vmem>>
    %dma_wait3A_608 = tpu.memref_squeeze %dma_wait3A_607 : memref<1x128x128xf32, #tpu.memory_space<vmem>> -> memref<128x128xf32, #tpu.memory_space<vmem>>
    tpu.wait_dma2 semaphore(%arg13 : memref<!tpu.dma_semaphore, #tpu.memory_space<semaphore_mem>>) src(%dma_wait3A_608 : memref<128x128xf32, #tpu.memory_space<vmem>>) dst(%dma_wait3A_604 : memref<128x128xf32, #tpu.memory_space<hbm>>)
    %dma_start3A_609 = arith.constant 14 : i32
    %dma_start3A_610 = arith.constant 2 : i32
    %dma_start3A_611 = arith.constant 0 : i32
    %dma_start3A_612 = arith.constant 0 : i32
    %dma_start3A_613 = tpu.memref_slice %arg6[%dma_start3A_610, %dma_start3A_611, %dma_start3A_612] : memref<4x128x128xf32, #tpu.memory_space<vmem>> -> memref<1x128x128xf32, #tpu.memory_space<vmem>>
    %dma_start3A_614 = tpu.memref_squeeze %dma_start3A_613 : memref<1x128x128xf32, #tpu.memory_space<vmem>> -> memref<128x128xf32, #tpu.memory_space<vmem>>
    %dma_start3A_615 = arith.constant 0 : i32
    %dma_start3A_616 = tpu.memref_slice %arg5[%dma_start3A_609, %dma_start3A_615] : memref<20x128xi32, #tpu.memory_space<vmem>> -> memref<1x128xi32, #tpu.memory_space<vmem>>
    %dma_start3A_617 = tpu.memref_squeeze %dma_start3A_616 : memref<1x128xi32, #tpu.memory_space<vmem>> -> memref<128xi32, #tpu.memory_space<vmem>>
    %dma_start3A_618 = arith.constant 0 : i32
    %dma_start3A_619 = arith.constant 0 : i32
    %dma_start3A_620 = tpu.memref_slice %arg3[%dma_start3A_618, %dma_start3A_619] : memref<1000000x128xf32, #tpu.memory_space<hbm>> -> memref<1000000x128xf32, #tpu.memory_space<hbm>>
    tpu.enqueue_indirect_dma source(%dma_start3A_620 : memref<1000000x128xf32, #tpu.memory_space<hbm>>) target(%dma_start3A_614 : memref<128x128xf32, #tpu.memory_space<vmem>>) offsets(%dma_start3A_617 : memref<128xi32, #tpu.memory_space<vmem>>) semaphore(%arg9 : memref<!tpu.dma_semaphore, #tpu.memory_space<semaphore_mem>>)
    %dma_wait3A_621 = arith.constant 11 : i32
    %dma_wait3A_622 = arith.constant 3 : i32
    %dma_wait3A_623 = arith.constant 0 : i32
    %dma_wait3A_624 = arith.constant 0 : i32
    %dma_wait3A_625 = tpu.memref_slice %arg6[%dma_wait3A_622, %dma_wait3A_623, %dma_wait3A_624] : memref<4x128x128xf32, #tpu.memory_space<vmem>> -> memref<1x128x128xf32, #tpu.memory_space<vmem>>
    %dma_wait3A_626 = tpu.memref_squeeze %dma_wait3A_625 : memref<1x128x128xf32, #tpu.memory_space<vmem>> -> memref<128x128xf32, #tpu.memory_space<vmem>>
    %dma_wait3A_627 = arith.constant 0 : i32
    %dma_wait3A_628 = tpu.memref_slice %arg5[%dma_wait3A_621, %dma_wait3A_627] : memref<20x128xi32, #tpu.memory_space<vmem>> -> memref<1x128xi32, #tpu.memory_space<vmem>>
    %dma_wait3A_629 = tpu.memref_squeeze %dma_wait3A_628 : memref<1x128xi32, #tpu.memory_space<vmem>> -> memref<128xi32, #tpu.memory_space<vmem>>
    %dma_wait3A_630 = arith.constant 0 : i32
    %dma_wait3A_631 = arith.constant 0 : i32
    %dma_wait3A_632 = tpu.memref_slice %arg3[%dma_wait3A_630, %dma_wait3A_631] : memref<1000000x128xf32, #tpu.memory_space<hbm>> -> memref<1000000x128xf32, #tpu.memory_space<hbm>>
    tpu.wait_indirect_dma semaphore(%arg10 : memref<!tpu.dma_semaphore, #tpu.memory_space<semaphore_mem>>) src(%dma_wait3A_632 : memref<1000000x128xf32, #tpu.memory_space<hbm>>) dst(%dma_wait3A_626 : memref<128x128xf32, #tpu.memory_space<vmem>>)
    %add3A_633 = arith.constant 1408 : i32
    %add3A_634 = arith.addi %mul3A_2, %add3A_633 : i32
    %dma_start3A_635 = arith.constant 3 : i32
    %dma_start3A_636 = arith.constant 0 : i32
    %dma_start3A_637 = arith.constant 0 : i32
    %dma_start3A_638 = tpu.memref_slice %arg6[%dma_start3A_635, %dma_start3A_636, %dma_start3A_637] : memref<4x128x128xf32, #tpu.memory_space<vmem>> -> memref<1x128x128xf32, #tpu.memory_space<vmem>>
    %dma_start3A_639 = tpu.memref_squeeze %dma_start3A_638 : memref<1x128x128xf32, #tpu.memory_space<vmem>> -> memref<128x128xf32, #tpu.memory_space<vmem>>
    %dma_start3A_640 = arith.constant 0 : i32
    %dma_start3A_641 = tpu.memref_slice %arg4[%add3A_634, %dma_start3A_640] : memref<81920x128xf32, #tpu.memory_space<hbm>> -> memref<128x128xf32, #tpu.memory_space<hbm>>
    %dma_start3A_642 = arith.constant 0 : i32
    %dma_start3A_643 = tpu.memref_slice %arg4[%add3A_634, %dma_start3A_642] : memref<81920x128xf32, #tpu.memory_space<hbm>> -> memref<128x128xf32, #tpu.memory_space<hbm>>
    %dma_start3A_644 = arith.constant 0 : i32
    %dma_start3A_645 = arith.constant 0 : i32
    %dma_start3A_646 = tpu.memref_slice %arg6[%dma_start3A_635, %dma_start3A_644, %dma_start3A_645] : memref<4x128x128xf32, #tpu.memory_space<vmem>> -> memref<1x128x128xf32, #tpu.memory_space<vmem>>
    %dma_start3A_647 = tpu.memref_squeeze %dma_start3A_646 : memref<1x128x128xf32, #tpu.memory_space<vmem>> -> memref<128x128xf32, #tpu.memory_space<vmem>>
    tpu.enqueue_dma source(%dma_start3A_647 : memref<128x128xf32, #tpu.memory_space<vmem>>) target(%dma_start3A_643 : memref<128x128xf32, #tpu.memory_space<hbm>>) target_semaphore(%arg14 : memref<!tpu.dma_semaphore, #tpu.memory_space<semaphore_mem>>)
    %dma_wait3A_648 = arith.constant 3 : i32
    %dma_wait3A_649 = arith.constant 0 : i32
    %dma_wait3A_650 = arith.constant 0 : i32
    %dma_wait3A_651 = tpu.memref_slice %arg6[%dma_wait3A_648, %dma_wait3A_649, %dma_wait3A_650] : memref<4x128x128xf32, #tpu.memory_space<vmem>> -> memref<1x128x128xf32, #tpu.memory_space<vmem>>
    %dma_wait3A_652 = tpu.memref_squeeze %dma_wait3A_651 : memref<1x128x128xf32, #tpu.memory_space<vmem>> -> memref<128x128xf32, #tpu.memory_space<vmem>>
    %dma_wait3A_653 = arith.constant 0 : i32
    %dma_wait3A_654 = tpu.memref_slice %arg4[%add3A_634, %dma_wait3A_653] : memref<81920x128xf32, #tpu.memory_space<hbm>> -> memref<128x128xf32, #tpu.memory_space<hbm>>
    %dma_wait3A_655 = arith.constant 0 : i32
    %dma_wait3A_656 = tpu.memref_slice %arg4[%add3A_634, %dma_wait3A_655] : memref<81920x128xf32, #tpu.memory_space<hbm>> -> memref<128x128xf32, #tpu.memory_space<hbm>>
    %dma_wait3A_657 = arith.constant 0 : i32
    %dma_wait3A_658 = arith.constant 0 : i32
    %dma_wait3A_659 = tpu.memref_slice %arg6[%dma_wait3A_648, %dma_wait3A_657, %dma_wait3A_658] : memref<4x128x128xf32, #tpu.memory_space<vmem>> -> memref<1x128x128xf32, #tpu.memory_space<vmem>>
    %dma_wait3A_660 = tpu.memref_squeeze %dma_wait3A_659 : memref<1x128x128xf32, #tpu.memory_space<vmem>> -> memref<128x128xf32, #tpu.memory_space<vmem>>
    tpu.wait_dma2 semaphore(%arg14 : memref<!tpu.dma_semaphore, #tpu.memory_space<semaphore_mem>>) src(%dma_wait3A_660 : memref<128x128xf32, #tpu.memory_space<vmem>>) dst(%dma_wait3A_656 : memref<128x128xf32, #tpu.memory_space<hbm>>)
    %dma_start3A_661 = arith.constant 15 : i32
    %dma_start3A_662 = arith.constant 3 : i32
    %dma_start3A_663 = arith.constant 0 : i32
    %dma_start3A_664 = arith.constant 0 : i32
    %dma_start3A_665 = tpu.memref_slice %arg6[%dma_start3A_662, %dma_start3A_663, %dma_start3A_664] : memref<4x128x128xf32, #tpu.memory_space<vmem>> -> memref<1x128x128xf32, #tpu.memory_space<vmem>>
    %dma_start3A_666 = tpu.memref_squeeze %dma_start3A_665 : memref<1x128x128xf32, #tpu.memory_space<vmem>> -> memref<128x128xf32, #tpu.memory_space<vmem>>
    %dma_start3A_667 = arith.constant 0 : i32
    %dma_start3A_668 = tpu.memref_slice %arg5[%dma_start3A_661, %dma_start3A_667] : memref<20x128xi32, #tpu.memory_space<vmem>> -> memref<1x128xi32, #tpu.memory_space<vmem>>
    %dma_start3A_669 = tpu.memref_squeeze %dma_start3A_668 : memref<1x128xi32, #tpu.memory_space<vmem>> -> memref<128xi32, #tpu.memory_space<vmem>>
    %dma_start3A_670 = arith.constant 0 : i32
    %dma_start3A_671 = arith.constant 0 : i32
    %dma_start3A_672 = tpu.memref_slice %arg3[%dma_start3A_670, %dma_start3A_671] : memref<1000000x128xf32, #tpu.memory_space<hbm>> -> memref<1000000x128xf32, #tpu.memory_space<hbm>>
    tpu.enqueue_indirect_dma source(%dma_start3A_672 : memref<1000000x128xf32, #tpu.memory_space<hbm>>) target(%dma_start3A_666 : memref<128x128xf32, #tpu.memory_space<vmem>>) offsets(%dma_start3A_669 : memref<128xi32, #tpu.memory_space<vmem>>) semaphore(%arg10 : memref<!tpu.dma_semaphore, #tpu.memory_space<semaphore_mem>>)
    %dma_wait3A_673 = arith.constant 12 : i32
    %dma_wait3A_674 = arith.constant 0 : i32
    %dma_wait3A_675 = arith.constant 0 : i32
    %dma_wait3A_676 = arith.constant 0 : i32
    %dma_wait3A_677 = tpu.memref_slice %arg6[%dma_wait3A_674, %dma_wait3A_675, %dma_wait3A_676] : memref<4x128x128xf32, #tpu.memory_space<vmem>> -> memref<1x128x128xf32, #tpu.memory_space<vmem>>
    %dma_wait3A_678 = tpu.memref_squeeze %dma_wait3A_677 : memref<1x128x128xf32, #tpu.memory_space<vmem>> -> memref<128x128xf32, #tpu.memory_space<vmem>>
    %dma_wait3A_679 = arith.constant 0 : i32
    %dma_wait3A_680 = tpu.memref_slice %arg5[%dma_wait3A_673, %dma_wait3A_679] : memref<20x128xi32, #tpu.memory_space<vmem>> -> memref<1x128xi32, #tpu.memory_space<vmem>>
    %dma_wait3A_681 = tpu.memref_squeeze %dma_wait3A_680 : memref<1x128xi32, #tpu.memory_space<vmem>> -> memref<128xi32, #tpu.memory_space<vmem>>
    %dma_wait3A_682 = arith.constant 0 : i32
    %dma_wait3A_683 = arith.constant 0 : i32
    %dma_wait3A_684 = tpu.memref_slice %arg3[%dma_wait3A_682, %dma_wait3A_683] : memref<1000000x128xf32, #tpu.memory_space<hbm>> -> memref<1000000x128xf32, #tpu.memory_space<hbm>>
    tpu.wait_indirect_dma semaphore(%arg7 : memref<!tpu.dma_semaphore, #tpu.memory_space<semaphore_mem>>) src(%dma_wait3A_684 : memref<1000000x128xf32, #tpu.memory_space<hbm>>) dst(%dma_wait3A_678 : memref<128x128xf32, #tpu.memory_space<vmem>>)
    %add3A_685 = arith.constant 1536 : i32
    %add3A_686 = arith.addi %mul3A_2, %add3A_685 : i32
    %dma_start3A_687 = arith.constant 0 : i32
    %dma_start3A_688 = arith.constant 0 : i32
    %dma_start3A_689 = arith.constant 0 : i32
    %dma_start3A_690 = tpu.memref_slice %arg6[%dma_start3A_687, %dma_start3A_688, %dma_start3A_689] : memref<4x128x128xf32, #tpu.memory_space<vmem>> -> memref<1x128x128xf32, #tpu.memory_space<vmem>>
    %dma_start3A_691 = tpu.memref_squeeze %dma_start3A_690 : memref<1x128x128xf32, #tpu.memory_space<vmem>> -> memref<128x128xf32, #tpu.memory_space<vmem>>
    %dma_start3A_692 = arith.constant 0 : i32
    %dma_start3A_693 = tpu.memref_slice %arg4[%add3A_686, %dma_start3A_692] : memref<81920x128xf32, #tpu.memory_space<hbm>> -> memref<128x128xf32, #tpu.memory_space<hbm>>
    %dma_start3A_694 = arith.constant 0 : i32
    %dma_start3A_695 = tpu.memref_slice %arg4[%add3A_686, %dma_start3A_694] : memref<81920x128xf32, #tpu.memory_space<hbm>> -> memref<128x128xf32, #tpu.memory_space<hbm>>
    %dma_start3A_696 = arith.constant 0 : i32
    %dma_start3A_697 = arith.constant 0 : i32
    %dma_start3A_698 = tpu.memref_slice %arg6[%dma_start3A_687, %dma_start3A_696, %dma_start3A_697] : memref<4x128x128xf32, #tpu.memory_space<vmem>> -> memref<1x128x128xf32, #tpu.memory_space<vmem>>
    %dma_start3A_699 = tpu.memref_squeeze %dma_start3A_698 : memref<1x128x128xf32, #tpu.memory_space<vmem>> -> memref<128x128xf32, #tpu.memory_space<vmem>>
    tpu.enqueue_dma source(%dma_start3A_699 : memref<128x128xf32, #tpu.memory_space<vmem>>) target(%dma_start3A_695 : memref<128x128xf32, #tpu.memory_space<hbm>>) target_semaphore(%arg11 : memref<!tpu.dma_semaphore, #tpu.memory_space<semaphore_mem>>)
    %dma_wait3A_700 = arith.constant 0 : i32
    %dma_wait3A_701 = arith.constant 0 : i32
    %dma_wait3A_702 = arith.constant 0 : i32
    %dma_wait3A_703 = tpu.memref_slice %arg6[%dma_wait3A_700, %dma_wait3A_701, %dma_wait3A_702] : memref<4x128x128xf32, #tpu.memory_space<vmem>> -> memref<1x128x128xf32, #tpu.memory_space<vmem>>
    %dma_wait3A_704 = tpu.memref_squeeze %dma_wait3A_703 : memref<1x128x128xf32, #tpu.memory_space<vmem>> -> memref<128x128xf32, #tpu.memory_space<vmem>>
    %dma_wait3A_705 = arith.constant 0 : i32
    %dma_wait3A_706 = tpu.memref_slice %arg4[%add3A_686, %dma_wait3A_705] : memref<81920x128xf32, #tpu.memory_space<hbm>> -> memref<128x128xf32, #tpu.memory_space<hbm>>
    %dma_wait3A_707 = arith.constant 0 : i32
    %dma_wait3A_708 = tpu.memref_slice %arg4[%add3A_686, %dma_wait3A_707] : memref<81920x128xf32, #tpu.memory_space<hbm>> -> memref<128x128xf32, #tpu.memory_space<hbm>>
    %dma_wait3A_709 = arith.constant 0 : i32
    %dma_wait3A_710 = arith.constant 0 : i32
    %dma_wait3A_711 = tpu.memref_slice %arg6[%dma_wait3A_700, %dma_wait3A_709, %dma_wait3A_710] : memref<4x128x128xf32, #tpu.memory_space<vmem>> -> memref<1x128x128xf32, #tpu.memory_space<vmem>>
    %dma_wait3A_712 = tpu.memref_squeeze %dma_wait3A_711 : memref<1x128x128xf32, #tpu.memory_space<vmem>> -> memref<128x128xf32, #tpu.memory_space<vmem>>
    tpu.wait_dma2 semaphore(%arg11 : memref<!tpu.dma_semaphore, #tpu.memory_space<semaphore_mem>>) src(%dma_wait3A_712 : memref<128x128xf32, #tpu.memory_space<vmem>>) dst(%dma_wait3A_708 : memref<128x128xf32, #tpu.memory_space<hbm>>)
    %dma_start3A_713 = arith.constant 16 : i32
    %dma_start3A_714 = arith.constant 0 : i32
    %dma_start3A_715 = arith.constant 0 : i32
    %dma_start3A_716 = arith.constant 0 : i32
    %dma_start3A_717 = tpu.memref_slice %arg6[%dma_start3A_714, %dma_start3A_715, %dma_start3A_716] : memref<4x128x128xf32, #tpu.memory_space<vmem>> -> memref<1x128x128xf32, #tpu.memory_space<vmem>>
    %dma_start3A_718 = tpu.memref_squeeze %dma_start3A_717 : memref<1x128x128xf32, #tpu.memory_space<vmem>> -> memref<128x128xf32, #tpu.memory_space<vmem>>
    %dma_start3A_719 = arith.constant 0 : i32
    %dma_start3A_720 = tpu.memref_slice %arg5[%dma_start3A_713, %dma_start3A_719] : memref<20x128xi32, #tpu.memory_space<vmem>> -> memref<1x128xi32, #tpu.memory_space<vmem>>
    %dma_start3A_721 = tpu.memref_squeeze %dma_start3A_720 : memref<1x128xi32, #tpu.memory_space<vmem>> -> memref<128xi32, #tpu.memory_space<vmem>>
    %dma_start3A_722 = arith.constant 0 : i32
    %dma_start3A_723 = arith.constant 0 : i32
    %dma_start3A_724 = tpu.memref_slice %arg3[%dma_start3A_722, %dma_start3A_723] : memref<1000000x128xf32, #tpu.memory_space<hbm>> -> memref<1000000x128xf32, #tpu.memory_space<hbm>>
    tpu.enqueue_indirect_dma source(%dma_start3A_724 : memref<1000000x128xf32, #tpu.memory_space<hbm>>) target(%dma_start3A_718 : memref<128x128xf32, #tpu.memory_space<vmem>>) offsets(%dma_start3A_721 : memref<128xi32, #tpu.memory_space<vmem>>) semaphore(%arg7 : memref<!tpu.dma_semaphore, #tpu.memory_space<semaphore_mem>>)
    %dma_wait3A_725 = arith.constant 13 : i32
    %dma_wait3A_726 = arith.constant 1 : i32
    %dma_wait3A_727 = arith.constant 0 : i32
    %dma_wait3A_728 = arith.constant 0 : i32
    %dma_wait3A_729 = tpu.memref_slice %arg6[%dma_wait3A_726, %dma_wait3A_727, %dma_wait3A_728] : memref<4x128x128xf32, #tpu.memory_space<vmem>> -> memref<1x128x128xf32, #tpu.memory_space<vmem>>
    %dma_wait3A_730 = tpu.memref_squeeze %dma_wait3A_729 : memref<1x128x128xf32, #tpu.memory_space<vmem>> -> memref<128x128xf32, #tpu.memory_space<vmem>>
    %dma_wait3A_731 = arith.constant 0 : i32
    %dma_wait3A_732 = tpu.memref_slice %arg5[%dma_wait3A_725, %dma_wait3A_731] : memref<20x128xi32, #tpu.memory_space<vmem>> -> memref<1x128xi32, #tpu.memory_space<vmem>>
    %dma_wait3A_733 = tpu.memref_squeeze %dma_wait3A_732 : memref<1x128xi32, #tpu.memory_space<vmem>> -> memref<128xi32, #tpu.memory_space<vmem>>
    %dma_wait3A_734 = arith.constant 0 : i32
    %dma_wait3A_735 = arith.constant 0 : i32
    %dma_wait3A_736 = tpu.memref_slice %arg3[%dma_wait3A_734, %dma_wait3A_735] : memref<1000000x128xf32, #tpu.memory_space<hbm>> -> memref<1000000x128xf32, #tpu.memory_space<hbm>>
    tpu.wait_indirect_dma semaphore(%arg8 : memref<!tpu.dma_semaphore, #tpu.memory_space<semaphore_mem>>) src(%dma_wait3A_736 : memref<1000000x128xf32, #tpu.memory_space<hbm>>) dst(%dma_wait3A_730 : memref<128x128xf32, #tpu.memory_space<vmem>>)
    %add3A_737 = arith.constant 1664 : i32
    %add3A_738 = arith.addi %mul3A_2, %add3A_737 : i32
    %dma_start3A_739 = arith.constant 1 : i32
    %dma_start3A_740 = arith.constant 0 : i32
    %dma_start3A_741 = arith.constant 0 : i32
    %dma_start3A_742 = tpu.memref_slice %arg6[%dma_start3A_739, %dma_start3A_740, %dma_start3A_741] : memref<4x128x128xf32, #tpu.memory_space<vmem>> -> memref<1x128x128xf32, #tpu.memory_space<vmem>>
    %dma_start3A_743 = tpu.memref_squeeze %dma_start3A_742 : memref<1x128x128xf32, #tpu.memory_space<vmem>> -> memref<128x128xf32, #tpu.memory_space<vmem>>
    %dma_start3A_744 = arith.constant 0 : i32
    %dma_start3A_745 = tpu.memref_slice %arg4[%add3A_738, %dma_start3A_744] : memref<81920x128xf32, #tpu.memory_space<hbm>> -> memref<128x128xf32, #tpu.memory_space<hbm>>
    %dma_start3A_746 = arith.constant 0 : i32
    %dma_start3A_747 = tpu.memref_slice %arg4[%add3A_738, %dma_start3A_746] : memref<81920x128xf32, #tpu.memory_space<hbm>> -> memref<128x128xf32, #tpu.memory_space<hbm>>
    %dma_start3A_748 = arith.constant 0 : i32
    %dma_start3A_749 = arith.constant 0 : i32
    %dma_start3A_750 = tpu.memref_slice %arg6[%dma_start3A_739, %dma_start3A_748, %dma_start3A_749] : memref<4x128x128xf32, #tpu.memory_space<vmem>> -> memref<1x128x128xf32, #tpu.memory_space<vmem>>
    %dma_start3A_751 = tpu.memref_squeeze %dma_start3A_750 : memref<1x128x128xf32, #tpu.memory_space<vmem>> -> memref<128x128xf32, #tpu.memory_space<vmem>>
    tpu.enqueue_dma source(%dma_start3A_751 : memref<128x128xf32, #tpu.memory_space<vmem>>) target(%dma_start3A_747 : memref<128x128xf32, #tpu.memory_space<hbm>>) target_semaphore(%arg12 : memref<!tpu.dma_semaphore, #tpu.memory_space<semaphore_mem>>)
    %dma_wait3A_752 = arith.constant 1 : i32
    %dma_wait3A_753 = arith.constant 0 : i32
    %dma_wait3A_754 = arith.constant 0 : i32
    %dma_wait3A_755 = tpu.memref_slice %arg6[%dma_wait3A_752, %dma_wait3A_753, %dma_wait3A_754] : memref<4x128x128xf32, #tpu.memory_space<vmem>> -> memref<1x128x128xf32, #tpu.memory_space<vmem>>
    %dma_wait3A_756 = tpu.memref_squeeze %dma_wait3A_755 : memref<1x128x128xf32, #tpu.memory_space<vmem>> -> memref<128x128xf32, #tpu.memory_space<vmem>>
    %dma_wait3A_757 = arith.constant 0 : i32
    %dma_wait3A_758 = tpu.memref_slice %arg4[%add3A_738, %dma_wait3A_757] : memref<81920x128xf32, #tpu.memory_space<hbm>> -> memref<128x128xf32, #tpu.memory_space<hbm>>
    %dma_wait3A_759 = arith.constant 0 : i32
    %dma_wait3A_760 = tpu.memref_slice %arg4[%add3A_738, %dma_wait3A_759] : memref<81920x128xf32, #tpu.memory_space<hbm>> -> memref<128x128xf32, #tpu.memory_space<hbm>>
    %dma_wait3A_761 = arith.constant 0 : i32
    %dma_wait3A_762 = arith.constant 0 : i32
    %dma_wait3A_763 = tpu.memref_slice %arg6[%dma_wait3A_752, %dma_wait3A_761, %dma_wait3A_762] : memref<4x128x128xf32, #tpu.memory_space<vmem>> -> memref<1x128x128xf32, #tpu.memory_space<vmem>>
    %dma_wait3A_764 = tpu.memref_squeeze %dma_wait3A_763 : memref<1x128x128xf32, #tpu.memory_space<vmem>> -> memref<128x128xf32, #tpu.memory_space<vmem>>
    tpu.wait_dma2 semaphore(%arg12 : memref<!tpu.dma_semaphore, #tpu.memory_space<semaphore_mem>>) src(%dma_wait3A_764 : memref<128x128xf32, #tpu.memory_space<vmem>>) dst(%dma_wait3A_760 : memref<128x128xf32, #tpu.memory_space<hbm>>)
    %dma_start3A_765 = arith.constant 17 : i32
    %dma_start3A_766 = arith.constant 1 : i32
    %dma_start3A_767 = arith.constant 0 : i32
    %dma_start3A_768 = arith.constant 0 : i32
    %dma_start3A_769 = tpu.memref_slice %arg6[%dma_start3A_766, %dma_start3A_767, %dma_start3A_768] : memref<4x128x128xf32, #tpu.memory_space<vmem>> -> memref<1x128x128xf32, #tpu.memory_space<vmem>>
    %dma_start3A_770 = tpu.memref_squeeze %dma_start3A_769 : memref<1x128x128xf32, #tpu.memory_space<vmem>> -> memref<128x128xf32, #tpu.memory_space<vmem>>
    %dma_start3A_771 = arith.constant 0 : i32
    %dma_start3A_772 = tpu.memref_slice %arg5[%dma_start3A_765, %dma_start3A_771] : memref<20x128xi32, #tpu.memory_space<vmem>> -> memref<1x128xi32, #tpu.memory_space<vmem>>
    %dma_start3A_773 = tpu.memref_squeeze %dma_start3A_772 : memref<1x128xi32, #tpu.memory_space<vmem>> -> memref<128xi32, #tpu.memory_space<vmem>>
    %dma_start3A_774 = arith.constant 0 : i32
    %dma_start3A_775 = arith.constant 0 : i32
    %dma_start3A_776 = tpu.memref_slice %arg3[%dma_start3A_774, %dma_start3A_775] : memref<1000000x128xf32, #tpu.memory_space<hbm>> -> memref<1000000x128xf32, #tpu.memory_space<hbm>>
    tpu.enqueue_indirect_dma source(%dma_start3A_776 : memref<1000000x128xf32, #tpu.memory_space<hbm>>) target(%dma_start3A_770 : memref<128x128xf32, #tpu.memory_space<vmem>>) offsets(%dma_start3A_773 : memref<128xi32, #tpu.memory_space<vmem>>) semaphore(%arg8 : memref<!tpu.dma_semaphore, #tpu.memory_space<semaphore_mem>>)
    %dma_wait3A_777 = arith.constant 14 : i32
    %dma_wait3A_778 = arith.constant 2 : i32
    %dma_wait3A_779 = arith.constant 0 : i32
    %dma_wait3A_780 = arith.constant 0 : i32
    %dma_wait3A_781 = tpu.memref_slice %arg6[%dma_wait3A_778, %dma_wait3A_779, %dma_wait3A_780] : memref<4x128x128xf32, #tpu.memory_space<vmem>> -> memref<1x128x128xf32, #tpu.memory_space<vmem>>
    %dma_wait3A_782 = tpu.memref_squeeze %dma_wait3A_781 : memref<1x128x128xf32, #tpu.memory_space<vmem>> -> memref<128x128xf32, #tpu.memory_space<vmem>>
    %dma_wait3A_783 = arith.constant 0 : i32
    %dma_wait3A_784 = tpu.memref_slice %arg5[%dma_wait3A_777, %dma_wait3A_783] : memref<20x128xi32, #tpu.memory_space<vmem>> -> memref<1x128xi32, #tpu.memory_space<vmem>>
    %dma_wait3A_785 = tpu.memref_squeeze %dma_wait3A_784 : memref<1x128xi32, #tpu.memory_space<vmem>> -> memref<128xi32, #tpu.memory_space<vmem>>
    %dma_wait3A_786 = arith.constant 0 : i32
    %dma_wait3A_787 = arith.constant 0 : i32
    %dma_wait3A_788 = tpu.memref_slice %arg3[%dma_wait3A_786, %dma_wait3A_787] : memref<1000000x128xf32, #tpu.memory_space<hbm>> -> memref<1000000x128xf32, #tpu.memory_space<hbm>>
    tpu.wait_indirect_dma semaphore(%arg9 : memref<!tpu.dma_semaphore, #tpu.memory_space<semaphore_mem>>) src(%dma_wait3A_788 : memref<1000000x128xf32, #tpu.memory_space<hbm>>) dst(%dma_wait3A_782 : memref<128x128xf32, #tpu.memory_space<vmem>>)
    %add3A_789 = arith.constant 1792 : i32
    %add3A_790 = arith.addi %mul3A_2, %add3A_789 : i32
    %dma_start3A_791 = arith.constant 2 : i32
    %dma_start3A_792 = arith.constant 0 : i32
    %dma_start3A_793 = arith.constant 0 : i32
    %dma_start3A_794 = tpu.memref_slice %arg6[%dma_start3A_791, %dma_start3A_792, %dma_start3A_793] : memref<4x128x128xf32, #tpu.memory_space<vmem>> -> memref<1x128x128xf32, #tpu.memory_space<vmem>>
    %dma_start3A_795 = tpu.memref_squeeze %dma_start3A_794 : memref<1x128x128xf32, #tpu.memory_space<vmem>> -> memref<128x128xf32, #tpu.memory_space<vmem>>
    %dma_start3A_796 = arith.constant 0 : i32
    %dma_start3A_797 = tpu.memref_slice %arg4[%add3A_790, %dma_start3A_796] : memref<81920x128xf32, #tpu.memory_space<hbm>> -> memref<128x128xf32, #tpu.memory_space<hbm>>
    %dma_start3A_798 = arith.constant 0 : i32
    %dma_start3A_799 = tpu.memref_slice %arg4[%add3A_790, %dma_start3A_798] : memref<81920x128xf32, #tpu.memory_space<hbm>> -> memref<128x128xf32, #tpu.memory_space<hbm>>
    %dma_start3A_800 = arith.constant 0 : i32
    %dma_start3A_801 = arith.constant 0 : i32
    %dma_start3A_802 = tpu.memref_slice %arg6[%dma_start3A_791, %dma_start3A_800, %dma_start3A_801] : memref<4x128x128xf32, #tpu.memory_space<vmem>> -> memref<1x128x128xf32, #tpu.memory_space<vmem>>
    %dma_start3A_803 = tpu.memref_squeeze %dma_start3A_802 : memref<1x128x128xf32, #tpu.memory_space<vmem>> -> memref<128x128xf32, #tpu.memory_space<vmem>>
    tpu.enqueue_dma source(%dma_start3A_803 : memref<128x128xf32, #tpu.memory_space<vmem>>) target(%dma_start3A_799 : memref<128x128xf32, #tpu.memory_space<hbm>>) target_semaphore(%arg13 : memref<!tpu.dma_semaphore, #tpu.memory_space<semaphore_mem>>)
    %dma_wait3A_804 = arith.constant 2 : i32
    %dma_wait3A_805 = arith.constant 0 : i32
    %dma_wait3A_806 = arith.constant 0 : i32
    %dma_wait3A_807 = tpu.memref_slice %arg6[%dma_wait3A_804, %dma_wait3A_805, %dma_wait3A_806] : memref<4x128x128xf32, #tpu.memory_space<vmem>> -> memref<1x128x128xf32, #tpu.memory_space<vmem>>
    %dma_wait3A_808 = tpu.memref_squeeze %dma_wait3A_807 : memref<1x128x128xf32, #tpu.memory_space<vmem>> -> memref<128x128xf32, #tpu.memory_space<vmem>>
    %dma_wait3A_809 = arith.constant 0 : i32
    %dma_wait3A_810 = tpu.memref_slice %arg4[%add3A_790, %dma_wait3A_809] : memref<81920x128xf32, #tpu.memory_space<hbm>> -> memref<128x128xf32, #tpu.memory_space<hbm>>
    %dma_wait3A_811 = arith.constant 0 : i32
    %dma_wait3A_812 = tpu.memref_slice %arg4[%add3A_790, %dma_wait3A_811] : memref<81920x128xf32, #tpu.memory_space<hbm>> -> memref<128x128xf32, #tpu.memory_space<hbm>>
    %dma_wait3A_813 = arith.constant 0 : i32
    %dma_wait3A_814 = arith.constant 0 : i32
    %dma_wait3A_815 = tpu.memref_slice %arg6[%dma_wait3A_804, %dma_wait3A_813, %dma_wait3A_814] : memref<4x128x128xf32, #tpu.memory_space<vmem>> -> memref<1x128x128xf32, #tpu.memory_space<vmem>>
    %dma_wait3A_816 = tpu.memref_squeeze %dma_wait3A_815 : memref<1x128x128xf32, #tpu.memory_space<vmem>> -> memref<128x128xf32, #tpu.memory_space<vmem>>
    tpu.wait_dma2 semaphore(%arg13 : memref<!tpu.dma_semaphore, #tpu.memory_space<semaphore_mem>>) src(%dma_wait3A_816 : memref<128x128xf32, #tpu.memory_space<vmem>>) dst(%dma_wait3A_812 : memref<128x128xf32, #tpu.memory_space<hbm>>)
    %dma_start3A_817 = arith.constant 18 : i32
    %dma_start3A_818 = arith.constant 2 : i32
    %dma_start3A_819 = arith.constant 0 : i32
    %dma_start3A_820 = arith.constant 0 : i32
    %dma_start3A_821 = tpu.memref_slice %arg6[%dma_start3A_818, %dma_start3A_819, %dma_start3A_820] : memref<4x128x128xf32, #tpu.memory_space<vmem>> -> memref<1x128x128xf32, #tpu.memory_space<vmem>>
    %dma_start3A_822 = tpu.memref_squeeze %dma_start3A_821 : memref<1x128x128xf32, #tpu.memory_space<vmem>> -> memref<128x128xf32, #tpu.memory_space<vmem>>
    %dma_start3A_823 = arith.constant 0 : i32
    %dma_start3A_824 = tpu.memref_slice %arg5[%dma_start3A_817, %dma_start3A_823] : memref<20x128xi32, #tpu.memory_space<vmem>> -> memref<1x128xi32, #tpu.memory_space<vmem>>
    %dma_start3A_825 = tpu.memref_squeeze %dma_start3A_824 : memref<1x128xi32, #tpu.memory_space<vmem>> -> memref<128xi32, #tpu.memory_space<vmem>>
    %dma_start3A_826 = arith.constant 0 : i32
    %dma_start3A_827 = arith.constant 0 : i32
    %dma_start3A_828 = tpu.memref_slice %arg3[%dma_start3A_826, %dma_start3A_827] : memref<1000000x128xf32, #tpu.memory_space<hbm>> -> memref<1000000x128xf32, #tpu.memory_space<hbm>>
    tpu.enqueue_indirect_dma source(%dma_start3A_828 : memref<1000000x128xf32, #tpu.memory_space<hbm>>) target(%dma_start3A_822 : memref<128x128xf32, #tpu.memory_space<vmem>>) offsets(%dma_start3A_825 : memref<128xi32, #tpu.memory_space<vmem>>) semaphore(%arg9 : memref<!tpu.dma_semaphore, #tpu.memory_space<semaphore_mem>>)
    %dma_wait3A_829 = arith.constant 15 : i32
    %dma_wait3A_830 = arith.constant 3 : i32
    %dma_wait3A_831 = arith.constant 0 : i32
    %dma_wait3A_832 = arith.constant 0 : i32
    %dma_wait3A_833 = tpu.memref_slice %arg6[%dma_wait3A_830, %dma_wait3A_831, %dma_wait3A_832] : memref<4x128x128xf32, #tpu.memory_space<vmem>> -> memref<1x128x128xf32, #tpu.memory_space<vmem>>
    %dma_wait3A_834 = tpu.memref_squeeze %dma_wait3A_833 : memref<1x128x128xf32, #tpu.memory_space<vmem>> -> memref<128x128xf32, #tpu.memory_space<vmem>>
    %dma_wait3A_835 = arith.constant 0 : i32
    %dma_wait3A_836 = tpu.memref_slice %arg5[%dma_wait3A_829, %dma_wait3A_835] : memref<20x128xi32, #tpu.memory_space<vmem>> -> memref<1x128xi32, #tpu.memory_space<vmem>>
    %dma_wait3A_837 = tpu.memref_squeeze %dma_wait3A_836 : memref<1x128xi32, #tpu.memory_space<vmem>> -> memref<128xi32, #tpu.memory_space<vmem>>
    %dma_wait3A_838 = arith.constant 0 : i32
    %dma_wait3A_839 = arith.constant 0 : i32
    %dma_wait3A_840 = tpu.memref_slice %arg3[%dma_wait3A_838, %dma_wait3A_839] : memref<1000000x128xf32, #tpu.memory_space<hbm>> -> memref<1000000x128xf32, #tpu.memory_space<hbm>>
    tpu.wait_indirect_dma semaphore(%arg10 : memref<!tpu.dma_semaphore, #tpu.memory_space<semaphore_mem>>) src(%dma_wait3A_840 : memref<1000000x128xf32, #tpu.memory_space<hbm>>) dst(%dma_wait3A_834 : memref<128x128xf32, #tpu.memory_space<vmem>>)
    %add3A_841 = arith.constant 1920 : i32
    %add3A_842 = arith.addi %mul3A_2, %add3A_841 : i32
    %dma_start3A_843 = arith.constant 3 : i32
    %dma_start3A_844 = arith.constant 0 : i32
    %dma_start3A_845 = arith.constant 0 : i32
    %dma_start3A_846 = tpu.memref_slice %arg6[%dma_start3A_843, %dma_start3A_844, %dma_start3A_845] : memref<4x128x128xf32, #tpu.memory_space<vmem>> -> memref<1x128x128xf32, #tpu.memory_space<vmem>>
    %dma_start3A_847 = tpu.memref_squeeze %dma_start3A_846 : memref<1x128x128xf32, #tpu.memory_space<vmem>> -> memref<128x128xf32, #tpu.memory_space<vmem>>
    %dma_start3A_848 = arith.constant 0 : i32
    %dma_start3A_849 = tpu.memref_slice %arg4[%add3A_842, %dma_start3A_848] : memref<81920x128xf32, #tpu.memory_space<hbm>> -> memref<128x128xf32, #tpu.memory_space<hbm>>
    %dma_start3A_850 = arith.constant 0 : i32
    %dma_start3A_851 = tpu.memref_slice %arg4[%add3A_842, %dma_start3A_850] : memref<81920x128xf32, #tpu.memory_space<hbm>> -> memref<128x128xf32, #tpu.memory_space<hbm>>
    %dma_start3A_852 = arith.constant 0 : i32
    %dma_start3A_853 = arith.constant 0 : i32
    %dma_start3A_854 = tpu.memref_slice %arg6[%dma_start3A_843, %dma_start3A_852, %dma_start3A_853] : memref<4x128x128xf32, #tpu.memory_space<vmem>> -> memref<1x128x128xf32, #tpu.memory_space<vmem>>
    %dma_start3A_855 = tpu.memref_squeeze %dma_start3A_854 : memref<1x128x128xf32, #tpu.memory_space<vmem>> -> memref<128x128xf32, #tpu.memory_space<vmem>>
    tpu.enqueue_dma source(%dma_start3A_855 : memref<128x128xf32, #tpu.memory_space<vmem>>) target(%dma_start3A_851 : memref<128x128xf32, #tpu.memory_space<hbm>>) target_semaphore(%arg14 : memref<!tpu.dma_semaphore, #tpu.memory_space<semaphore_mem>>)
    %dma_wait3A_856 = arith.constant 3 : i32
    %dma_wait3A_857 = arith.constant 0 : i32
    %dma_wait3A_858 = arith.constant 0 : i32
    %dma_wait3A_859 = tpu.memref_slice %arg6[%dma_wait3A_856, %dma_wait3A_857, %dma_wait3A_858] : memref<4x128x128xf32, #tpu.memory_space<vmem>> -> memref<1x128x128xf32, #tpu.memory_space<vmem>>
    %dma_wait3A_860 = tpu.memref_squeeze %dma_wait3A_859 : memref<1x128x128xf32, #tpu.memory_space<vmem>> -> memref<128x128xf32, #tpu.memory_space<vmem>>
    %dma_wait3A_861 = arith.constant 0 : i32
    %dma_wait3A_862 = tpu.memref_slice %arg4[%add3A_842, %dma_wait3A_861] : memref<81920x128xf32, #tpu.memory_space<hbm>> -> memref<128x128xf32, #tpu.memory_space<hbm>>
    %dma_wait3A_863 = arith.constant 0 : i32
    %dma_wait3A_864 = tpu.memref_slice %arg4[%add3A_842, %dma_wait3A_863] : memref<81920x128xf32, #tpu.memory_space<hbm>> -> memref<128x128xf32, #tpu.memory_space<hbm>>
    %dma_wait3A_865 = arith.constant 0 : i32
    %dma_wait3A_866 = arith.constant 0 : i32
    %dma_wait3A_867 = tpu.memref_slice %arg6[%dma_wait3A_856, %dma_wait3A_865, %dma_wait3A_866] : memref<4x128x128xf32, #tpu.memory_space<vmem>> -> memref<1x128x128xf32, #tpu.memory_space<vmem>>
    %dma_wait3A_868 = tpu.memref_squeeze %dma_wait3A_867 : memref<1x128x128xf32, #tpu.memory_space<vmem>> -> memref<128x128xf32, #tpu.memory_space<vmem>>
    tpu.wait_dma2 semaphore(%arg14 : memref<!tpu.dma_semaphore, #tpu.memory_space<semaphore_mem>>) src(%dma_wait3A_868 : memref<128x128xf32, #tpu.memory_space<vmem>>) dst(%dma_wait3A_864 : memref<128x128xf32, #tpu.memory_space<hbm>>)
    %dma_start3A_869 = arith.constant 19 : i32
    %dma_start3A_870 = arith.constant 3 : i32
    %dma_start3A_871 = arith.constant 0 : i32
    %dma_start3A_872 = arith.constant 0 : i32
    %dma_start3A_873 = tpu.memref_slice %arg6[%dma_start3A_870, %dma_start3A_871, %dma_start3A_872] : memref<4x128x128xf32, #tpu.memory_space<vmem>> -> memref<1x128x128xf32, #tpu.memory_space<vmem>>
    %dma_start3A_874 = tpu.memref_squeeze %dma_start3A_873 : memref<1x128x128xf32, #tpu.memory_space<vmem>> -> memref<128x128xf32, #tpu.memory_space<vmem>>
    %dma_start3A_875 = arith.constant 0 : i32
    %dma_start3A_876 = tpu.memref_slice %arg5[%dma_start3A_869, %dma_start3A_875] : memref<20x128xi32, #tpu.memory_space<vmem>> -> memref<1x128xi32, #tpu.memory_space<vmem>>
    %dma_start3A_877 = tpu.memref_squeeze %dma_start3A_876 : memref<1x128xi32, #tpu.memory_space<vmem>> -> memref<128xi32, #tpu.memory_space<vmem>>
    %dma_start3A_878 = arith.constant 0 : i32
    %dma_start3A_879 = arith.constant 0 : i32
    %dma_start3A_880 = tpu.memref_slice %arg3[%dma_start3A_878, %dma_start3A_879] : memref<1000000x128xf32, #tpu.memory_space<hbm>> -> memref<1000000x128xf32, #tpu.memory_space<hbm>>
    tpu.enqueue_indirect_dma source(%dma_start3A_880 : memref<1000000x128xf32, #tpu.memory_space<hbm>>) target(%dma_start3A_874 : memref<128x128xf32, #tpu.memory_space<vmem>>) offsets(%dma_start3A_877 : memref<128xi32, #tpu.memory_space<vmem>>) semaphore(%arg10 : memref<!tpu.dma_semaphore, #tpu.memory_space<semaphore_mem>>)
    %dma_wait3A_881 = arith.constant 16 : i32
    %dma_wait3A_882 = arith.constant 0 : i32
    %dma_wait3A_883 = arith.constant 0 : i32
    %dma_wait3A_884 = arith.constant 0 : i32
    %dma_wait3A_885 = tpu.memref_slice %arg6[%dma_wait3A_882, %dma_wait3A_883, %dma_wait3A_884] : memref<4x128x128xf32, #tpu.memory_space<vmem>> -> memref<1x128x128xf32, #tpu.memory_space<vmem>>
    %dma_wait3A_886 = tpu.memref_squeeze %dma_wait3A_885 : memref<1x128x128xf32, #tpu.memory_space<vmem>> -> memref<128x128xf32, #tpu.memory_space<vmem>>
    %dma_wait3A_887 = arith.constant 0 : i32
    %dma_wait3A_888 = tpu.memref_slice %arg5[%dma_wait3A_881, %dma_wait3A_887] : memref<20x128xi32, #tpu.memory_space<vmem>> -> memref<1x128xi32, #tpu.memory_space<vmem>>
    %dma_wait3A_889 = tpu.memref_squeeze %dma_wait3A_888 : memref<1x128xi32, #tpu.memory_space<vmem>> -> memref<128xi32, #tpu.memory_space<vmem>>
    %dma_wait3A_890 = arith.constant 0 : i32
    %dma_wait3A_891 = arith.constant 0 : i32
    %dma_wait3A_892 = tpu.memref_slice %arg3[%dma_wait3A_890, %dma_wait3A_891] : memref<1000000x128xf32, #tpu.memory_space<hbm>> -> memref<1000000x128xf32, #tpu.memory_space<hbm>>
    tpu.wait_indirect_dma semaphore(%arg7 : memref<!tpu.dma_semaphore, #tpu.memory_space<semaphore_mem>>) src(%dma_wait3A_892 : memref<1000000x128xf32, #tpu.memory_space<hbm>>) dst(%dma_wait3A_886 : memref<128x128xf32, #tpu.memory_space<vmem>>)
    %add3A_893 = arith.constant 2048 : i32
    %add3A_894 = arith.addi %mul3A_2, %add3A_893 : i32
    %dma_start3A_895 = arith.constant 0 : i32
    %dma_start3A_896 = arith.constant 0 : i32
    %dma_start3A_897 = arith.constant 0 : i32
    %dma_start3A_898 = tpu.memref_slice %arg6[%dma_start3A_895, %dma_start3A_896, %dma_start3A_897] : memref<4x128x128xf32, #tpu.memory_space<vmem>> -> memref<1x128x128xf32, #tpu.memory_space<vmem>>
    %dma_start3A_899 = tpu.memref_squeeze %dma_start3A_898 : memref<1x128x128xf32, #tpu.memory_space<vmem>> -> memref<128x128xf32, #tpu.memory_space<vmem>>
    %dma_start3A_900 = arith.constant 0 : i32
    %dma_start3A_901 = tpu.memref_slice %arg4[%add3A_894, %dma_start3A_900] : memref<81920x128xf32, #tpu.memory_space<hbm>> -> memref<128x128xf32, #tpu.memory_space<hbm>>
    %dma_start3A_902 = arith.constant 0 : i32
    %dma_start3A_903 = tpu.memref_slice %arg4[%add3A_894, %dma_start3A_902] : memref<81920x128xf32, #tpu.memory_space<hbm>> -> memref<128x128xf32, #tpu.memory_space<hbm>>
    %dma_start3A_904 = arith.constant 0 : i32
    %dma_start3A_905 = arith.constant 0 : i32
    %dma_start3A_906 = tpu.memref_slice %arg6[%dma_start3A_895, %dma_start3A_904, %dma_start3A_905] : memref<4x128x128xf32, #tpu.memory_space<vmem>> -> memref<1x128x128xf32, #tpu.memory_space<vmem>>
    %dma_start3A_907 = tpu.memref_squeeze %dma_start3A_906 : memref<1x128x128xf32, #tpu.memory_space<vmem>> -> memref<128x128xf32, #tpu.memory_space<vmem>>
    tpu.enqueue_dma source(%dma_start3A_907 : memref<128x128xf32, #tpu.memory_space<vmem>>) target(%dma_start3A_903 : memref<128x128xf32, #tpu.memory_space<hbm>>) target_semaphore(%arg11 : memref<!tpu.dma_semaphore, #tpu.memory_space<semaphore_mem>>)
    %dma_wait3A_908 = arith.constant 17 : i32
    %dma_wait3A_909 = arith.constant 1 : i32
    %dma_wait3A_910 = arith.constant 0 : i32
    %dma_wait3A_911 = arith.constant 0 : i32
    %dma_wait3A_912 = tpu.memref_slice %arg6[%dma_wait3A_909, %dma_wait3A_910, %dma_wait3A_911] : memref<4x128x128xf32, #tpu.memory_space<vmem>> -> memref<1x128x128xf32, #tpu.memory_space<vmem>>
    %dma_wait3A_913 = tpu.memref_squeeze %dma_wait3A_912 : memref<1x128x128xf32, #tpu.memory_space<vmem>> -> memref<128x128xf32, #tpu.memory_space<vmem>>
    %dma_wait3A_914 = arith.constant 0 : i32
    %dma_wait3A_915 = tpu.memref_slice %arg5[%dma_wait3A_908, %dma_wait3A_914] : memref<20x128xi32, #tpu.memory_space<vmem>> -> memref<1x128xi32, #tpu.memory_space<vmem>>
    %dma_wait3A_916 = tpu.memref_squeeze %dma_wait3A_915 : memref<1x128xi32, #tpu.memory_space<vmem>> -> memref<128xi32, #tpu.memory_space<vmem>>
    %dma_wait3A_917 = arith.constant 0 : i32
    %dma_wait3A_918 = arith.constant 0 : i32
    %dma_wait3A_919 = tpu.memref_slice %arg3[%dma_wait3A_917, %dma_wait3A_918] : memref<1000000x128xf32, #tpu.memory_space<hbm>> -> memref<1000000x128xf32, #tpu.memory_space<hbm>>
    tpu.wait_indirect_dma semaphore(%arg8 : memref<!tpu.dma_semaphore, #tpu.memory_space<semaphore_mem>>) src(%dma_wait3A_919 : memref<1000000x128xf32, #tpu.memory_space<hbm>>) dst(%dma_wait3A_913 : memref<128x128xf32, #tpu.memory_space<vmem>>)
    %add3A_920 = arith.constant 2176 : i32
    %add3A_921 = arith.addi %mul3A_2, %add3A_920 : i32
    %dma_start3A_922 = arith.constant 1 : i32
    %dma_start3A_923 = arith.constant 0 : i32
    %dma_start3A_924 = arith.constant 0 : i32
    %dma_start3A_925 = tpu.memref_slice %arg6[%dma_start3A_922, %dma_start3A_923, %dma_start3A_924] : memref<4x128x128xf32, #tpu.memory_space<vmem>> -> memref<1x128x128xf32, #tpu.memory_space<vmem>>
    %dma_start3A_926 = tpu.memref_squeeze %dma_start3A_925 : memref<1x128x128xf32, #tpu.memory_space<vmem>> -> memref<128x128xf32, #tpu.memory_space<vmem>>
    %dma_start3A_927 = arith.constant 0 : i32
    %dma_start3A_928 = tpu.memref_slice %arg4[%add3A_921, %dma_start3A_927] : memref<81920x128xf32, #tpu.memory_space<hbm>> -> memref<128x128xf32, #tpu.memory_space<hbm>>
    %dma_start3A_929 = arith.constant 0 : i32
    %dma_start3A_930 = tpu.memref_slice %arg4[%add3A_921, %dma_start3A_929] : memref<81920x128xf32, #tpu.memory_space<hbm>> -> memref<128x128xf32, #tpu.memory_space<hbm>>
    %dma_start3A_931 = arith.constant 0 : i32
    %dma_start3A_932 = arith.constant 0 : i32
    %dma_start3A_933 = tpu.memref_slice %arg6[%dma_start3A_922, %dma_start3A_931, %dma_start3A_932] : memref<4x128x128xf32, #tpu.memory_space<vmem>> -> memref<1x128x128xf32, #tpu.memory_space<vmem>>
    %dma_start3A_934 = tpu.memref_squeeze %dma_start3A_933 : memref<1x128x128xf32, #tpu.memory_space<vmem>> -> memref<128x128xf32, #tpu.memory_space<vmem>>
    tpu.enqueue_dma source(%dma_start3A_934 : memref<128x128xf32, #tpu.memory_space<vmem>>) target(%dma_start3A_930 : memref<128x128xf32, #tpu.memory_space<hbm>>) target_semaphore(%arg12 : memref<!tpu.dma_semaphore, #tpu.memory_space<semaphore_mem>>)
    %dma_wait3A_935 = arith.constant 18 : i32
    %dma_wait3A_936 = arith.constant 2 : i32
    %dma_wait3A_937 = arith.constant 0 : i32
    %dma_wait3A_938 = arith.constant 0 : i32
    %dma_wait3A_939 = tpu.memref_slice %arg6[%dma_wait3A_936, %dma_wait3A_937, %dma_wait3A_938] : memref<4x128x128xf32, #tpu.memory_space<vmem>> -> memref<1x128x128xf32, #tpu.memory_space<vmem>>
    %dma_wait3A_940 = tpu.memref_squeeze %dma_wait3A_939 : memref<1x128x128xf32, #tpu.memory_space<vmem>> -> memref<128x128xf32, #tpu.memory_space<vmem>>
    %dma_wait3A_941 = arith.constant 0 : i32
    %dma_wait3A_942 = tpu.memref_slice %arg5[%dma_wait3A_935, %dma_wait3A_941] : memref<20x128xi32, #tpu.memory_space<vmem>> -> memref<1x128xi32, #tpu.memory_space<vmem>>
    %dma_wait3A_943 = tpu.memref_squeeze %dma_wait3A_942 : memref<1x128xi32, #tpu.memory_space<vmem>> -> memref<128xi32, #tpu.memory_space<vmem>>
    %dma_wait3A_944 = arith.constant 0 : i32
    %dma_wait3A_945 = arith.constant 0 : i32
    %dma_wait3A_946 = tpu.memref_slice %arg3[%dma_wait3A_944, %dma_wait3A_945] : memref<1000000x128xf32, #tpu.memory_space<hbm>> -> memref<1000000x128xf32, #tpu.memory_space<hbm>>
    tpu.wait_indirect_dma semaphore(%arg9 : memref<!tpu.dma_semaphore, #tpu.memory_space<semaphore_mem>>) src(%dma_wait3A_946 : memref<1000000x128xf32, #tpu.memory_space<hbm>>) dst(%dma_wait3A_940 : memref<128x128xf32, #tpu.memory_space<vmem>>)
    %add3A_947 = arith.constant 2304 : i32
    %add3A_948 = arith.addi %mul3A_2, %add3A_947 : i32
    %dma_start3A_949 = arith.constant 2 : i32
    %dma_start3A_950 = arith.constant 0 : i32
    %dma_start3A_951 = arith.constant 0 : i32
    %dma_start3A_952 = tpu.memref_slice %arg6[%dma_start3A_949, %dma_start3A_950, %dma_start3A_951] : memref<4x128x128xf32, #tpu.memory_space<vmem>> -> memref<1x128x128xf32, #tpu.memory_space<vmem>>
    %dma_start3A_953 = tpu.memref_squeeze %dma_start3A_952 : memref<1x128x128xf32, #tpu.memory_space<vmem>> -> memref<128x128xf32, #tpu.memory_space<vmem>>
    %dma_start3A_954 = arith.constant 0 : i32
    %dma_start3A_955 = tpu.memref_slice %arg4[%add3A_948, %dma_start3A_954] : memref<81920x128xf32, #tpu.memory_space<hbm>> -> memref<128x128xf32, #tpu.memory_space<hbm>>
    %dma_start3A_956 = arith.constant 0 : i32
    %dma_start3A_957 = tpu.memref_slice %arg4[%add3A_948, %dma_start3A_956] : memref<81920x128xf32, #tpu.memory_space<hbm>> -> memref<128x128xf32, #tpu.memory_space<hbm>>
    %dma_start3A_958 = arith.constant 0 : i32
    %dma_start3A_959 = arith.constant 0 : i32
    %dma_start3A_960 = tpu.memref_slice %arg6[%dma_start3A_949, %dma_start3A_958, %dma_start3A_959] : memref<4x128x128xf32, #tpu.memory_space<vmem>> -> memref<1x128x128xf32, #tpu.memory_space<vmem>>
    %dma_start3A_961 = tpu.memref_squeeze %dma_start3A_960 : memref<1x128x128xf32, #tpu.memory_space<vmem>> -> memref<128x128xf32, #tpu.memory_space<vmem>>
    tpu.enqueue_dma source(%dma_start3A_961 : memref<128x128xf32, #tpu.memory_space<vmem>>) target(%dma_start3A_957 : memref<128x128xf32, #tpu.memory_space<hbm>>) target_semaphore(%arg13 : memref<!tpu.dma_semaphore, #tpu.memory_space<semaphore_mem>>)
    %dma_wait3A_962 = arith.constant 19 : i32
    %dma_wait3A_963 = arith.constant 3 : i32
    %dma_wait3A_964 = arith.constant 0 : i32
    %dma_wait3A_965 = arith.constant 0 : i32
    %dma_wait3A_966 = tpu.memref_slice %arg6[%dma_wait3A_963, %dma_wait3A_964, %dma_wait3A_965] : memref<4x128x128xf32, #tpu.memory_space<vmem>> -> memref<1x128x128xf32, #tpu.memory_space<vmem>>
    %dma_wait3A_967 = tpu.memref_squeeze %dma_wait3A_966 : memref<1x128x128xf32, #tpu.memory_space<vmem>> -> memref<128x128xf32, #tpu.memory_space<vmem>>
    %dma_wait3A_968 = arith.constant 0 : i32
    %dma_wait3A_969 = tpu.memref_slice %arg5[%dma_wait3A_962, %dma_wait3A_968] : memref<20x128xi32, #tpu.memory_space<vmem>> -> memref<1x128xi32, #tpu.memory_space<vmem>>
    %dma_wait3A_970 = tpu.memref_squeeze %dma_wait3A_969 : memref<1x128xi32, #tpu.memory_space<vmem>> -> memref<128xi32, #tpu.memory_space<vmem>>
    %dma_wait3A_971 = arith.constant 0 : i32
    %dma_wait3A_972 = arith.constant 0 : i32
    %dma_wait3A_973 = tpu.memref_slice %arg3[%dma_wait3A_971, %dma_wait3A_972] : memref<1000000x128xf32, #tpu.memory_space<hbm>> -> memref<1000000x128xf32, #tpu.memory_space<hbm>>
    tpu.wait_indirect_dma semaphore(%arg10 : memref<!tpu.dma_semaphore, #tpu.memory_space<semaphore_mem>>) src(%dma_wait3A_973 : memref<1000000x128xf32, #tpu.memory_space<hbm>>) dst(%dma_wait3A_967 : memref<128x128xf32, #tpu.memory_space<vmem>>)
    %add3A_974 = arith.constant 2432 : i32
    %add3A_975 = arith.addi %mul3A_2, %add3A_974 : i32
    %dma_start3A_976 = arith.constant 3 : i32
    %dma_start3A_977 = arith.constant 0 : i32
    %dma_start3A_978 = arith.constant 0 : i32
    %dma_start3A_979 = tpu.memref_slice %arg6[%dma_start3A_976, %dma_start3A_977, %dma_start3A_978] : memref<4x128x128xf32, #tpu.memory_space<vmem>> -> memref<1x128x128xf32, #tpu.memory_space<vmem>>
    %dma_start3A_980 = tpu.memref_squeeze %dma_start3A_979 : memref<1x128x128xf32, #tpu.memory_space<vmem>> -> memref<128x128xf32, #tpu.memory_space<vmem>>
    %dma_start3A_981 = arith.constant 0 : i32
    %dma_start3A_982 = tpu.memref_slice %arg4[%add3A_975, %dma_start3A_981] : memref<81920x128xf32, #tpu.memory_space<hbm>> -> memref<128x128xf32, #tpu.memory_space<hbm>>
    %dma_start3A_983 = arith.constant 0 : i32
    %dma_start3A_984 = tpu.memref_slice %arg4[%add3A_975, %dma_start3A_983] : memref<81920x128xf32, #tpu.memory_space<hbm>> -> memref<128x128xf32, #tpu.memory_space<hbm>>
    %dma_start3A_985 = arith.constant 0 : i32
    %dma_start3A_986 = arith.constant 0 : i32
    %dma_start3A_987 = tpu.memref_slice %arg6[%dma_start3A_976, %dma_start3A_985, %dma_start3A_986] : memref<4x128x128xf32, #tpu.memory_space<vmem>> -> memref<1x128x128xf32, #tpu.memory_space<vmem>>
    %dma_start3A_988 = tpu.memref_squeeze %dma_start3A_987 : memref<1x128x128xf32, #tpu.memory_space<vmem>> -> memref<128x128xf32, #tpu.memory_space<vmem>>
    tpu.enqueue_dma source(%dma_start3A_988 : memref<128x128xf32, #tpu.memory_space<vmem>>) target(%dma_start3A_984 : memref<128x128xf32, #tpu.memory_space<hbm>>) target_semaphore(%arg14 : memref<!tpu.dma_semaphore, #tpu.memory_space<semaphore_mem>>)
    %dma_wait3A_989 = arith.constant 0 : i32
    %dma_wait3A_990 = arith.constant 0 : i32
    %dma_wait3A_991 = arith.constant 0 : i32
    %dma_wait3A_992 = tpu.memref_slice %arg6[%dma_wait3A_989, %dma_wait3A_990, %dma_wait3A_991] : memref<4x128x128xf32, #tpu.memory_space<vmem>> -> memref<1x128x128xf32, #tpu.memory_space<vmem>>
    %dma_wait3A_993 = tpu.memref_squeeze %dma_wait3A_992 : memref<1x128x128xf32, #tpu.memory_space<vmem>> -> memref<128x128xf32, #tpu.memory_space<vmem>>
    %dma_wait3A_994 = arith.constant 0 : i32
    %dma_wait3A_995 = tpu.memref_slice %arg4[%add3A_894, %dma_wait3A_994] : memref<81920x128xf32, #tpu.memory_space<hbm>> -> memref<128x128xf32, #tpu.memory_space<hbm>>
    %dma_wait3A_996 = arith.constant 0 : i32
    %dma_wait3A_997 = tpu.memref_slice %arg4[%add3A_894, %dma_wait3A_996] : memref<81920x128xf32, #tpu.memory_space<hbm>> -> memref<128x128xf32, #tpu.memory_space<hbm>>
    %dma_wait3A_998 = arith.constant 0 : i32
    %dma_wait3A_999 = arith.constant 0 : i32
    %dma_wait3A_1000 = tpu.memref_slice %arg6[%dma_wait3A_989, %dma_wait3A_998, %dma_wait3A_999] : memref<4x128x128xf32, #tpu.memory_space<vmem>> -> memref<1x128x128xf32, #tpu.memory_space<vmem>>
    %dma_wait3A_1001 = tpu.memref_squeeze %dma_wait3A_1000 : memref<1x128x128xf32, #tpu.memory_space<vmem>> -> memref<128x128xf32, #tpu.memory_space<vmem>>
    tpu.wait_dma2 semaphore(%arg11 : memref<!tpu.dma_semaphore, #tpu.memory_space<semaphore_mem>>) src(%dma_wait3A_1001 : memref<128x128xf32, #tpu.memory_space<vmem>>) dst(%dma_wait3A_997 : memref<128x128xf32, #tpu.memory_space<hbm>>)
    %dma_wait3A_1002 = arith.constant 1 : i32
    %dma_wait3A_1003 = arith.constant 0 : i32
    %dma_wait3A_1004 = arith.constant 0 : i32
    %dma_wait3A_1005 = tpu.memref_slice %arg6[%dma_wait3A_1002, %dma_wait3A_1003, %dma_wait3A_1004] : memref<4x128x128xf32, #tpu.memory_space<vmem>> -> memref<1x128x128xf32, #tpu.memory_space<vmem>>
    %dma_wait3A_1006 = tpu.memref_squeeze %dma_wait3A_1005 : memref<1x128x128xf32, #tpu.memory_space<vmem>> -> memref<128x128xf32, #tpu.memory_space<vmem>>
    %dma_wait3A_1007 = arith.constant 0 : i32
    %dma_wait3A_1008 = tpu.memref_slice %arg4[%add3A_921, %dma_wait3A_1007] : memref<81920x128xf32, #tpu.memory_space<hbm>> -> memref<128x128xf32, #tpu.memory_space<hbm>>
    %dma_wait3A_1009 = arith.constant 0 : i32
    %dma_wait3A_1010 = tpu.memref_slice %arg4[%add3A_921, %dma_wait3A_1009] : memref<81920x128xf32, #tpu.memory_space<hbm>> -> memref<128x128xf32, #tpu.memory_space<hbm>>
    %dma_wait3A_1011 = arith.constant 0 : i32
    %dma_wait3A_1012 = arith.constant 0 : i32
    %dma_wait3A_1013 = tpu.memref_slice %arg6[%dma_wait3A_1002, %dma_wait3A_1011, %dma_wait3A_1012] : memref<4x128x128xf32, #tpu.memory_space<vmem>> -> memref<1x128x128xf32, #tpu.memory_space<vmem>>
    %dma_wait3A_1014 = tpu.memref_squeeze %dma_wait3A_1013 : memref<1x128x128xf32, #tpu.memory_space<vmem>> -> memref<128x128xf32, #tpu.memory_space<vmem>>
    tpu.wait_dma2 semaphore(%arg12 : memref<!tpu.dma_semaphore, #tpu.memory_space<semaphore_mem>>) src(%dma_wait3A_1014 : memref<128x128xf32, #tpu.memory_space<vmem>>) dst(%dma_wait3A_1010 : memref<128x128xf32, #tpu.memory_space<hbm>>)
    %dma_wait3A_1015 = arith.constant 2 : i32
    %dma_wait3A_1016 = arith.constant 0 : i32
    %dma_wait3A_1017 = arith.constant 0 : i32
    %dma_wait3A_1018 = tpu.memref_slice %arg6[%dma_wait3A_1015, %dma_wait3A_1016, %dma_wait3A_1017] : memref<4x128x128xf32, #tpu.memory_space<vmem>> -> memref<1x128x128xf32, #tpu.memory_space<vmem>>
    %dma_wait3A_1019 = tpu.memref_squeeze %dma_wait3A_1018 : memref<1x128x128xf32, #tpu.memory_space<vmem>> -> memref<128x128xf32, #tpu.memory_space<vmem>>
    %dma_wait3A_1020 = arith.constant 0 : i32
    %dma_wait3A_1021 = tpu.memref_slice %arg4[%add3A_948, %dma_wait3A_1020] : memref<81920x128xf32, #tpu.memory_space<hbm>> -> memref<128x128xf32, #tpu.memory_space<hbm>>
    %dma_wait3A_1022 = arith.constant 0 : i32
    %dma_wait3A_1023 = tpu.memref_slice %arg4[%add3A_948, %dma_wait3A_1022] : memref<81920x128xf32, #tpu.memory_space<hbm>> -> memref<128x128xf32, #tpu.memory_space<hbm>>
    %dma_wait3A_1024 = arith.constant 0 : i32
    %dma_wait3A_1025 = arith.constant 0 : i32
    %dma_wait3A_1026 = tpu.memref_slice %arg6[%dma_wait3A_1015, %dma_wait3A_1024, %dma_wait3A_1025] : memref<4x128x128xf32, #tpu.memory_space<vmem>> -> memref<1x128x128xf32, #tpu.memory_space<vmem>>
    %dma_wait3A_1027 = tpu.memref_squeeze %dma_wait3A_1026 : memref<1x128x128xf32, #tpu.memory_space<vmem>> -> memref<128x128xf32, #tpu.memory_space<vmem>>
    tpu.wait_dma2 semaphore(%arg13 : memref<!tpu.dma_semaphore, #tpu.memory_space<semaphore_mem>>) src(%dma_wait3A_1027 : memref<128x128xf32, #tpu.memory_space<vmem>>) dst(%dma_wait3A_1023 : memref<128x128xf32, #tpu.memory_space<hbm>>)
    %dma_wait3A_1028 = arith.constant 3 : i32
    %dma_wait3A_1029 = arith.constant 0 : i32
    %dma_wait3A_1030 = arith.constant 0 : i32
    %dma_wait3A_1031 = tpu.memref_slice %arg6[%dma_wait3A_1028, %dma_wait3A_1029, %dma_wait3A_1030] : memref<4x128x128xf32, #tpu.memory_space<vmem>> -> memref<1x128x128xf32, #tpu.memory_space<vmem>>
    %dma_wait3A_1032 = tpu.memref_squeeze %dma_wait3A_1031 : memref<1x128x128xf32, #tpu.memory_space<vmem>> -> memref<128x128xf32, #tpu.memory_space<vmem>>
    %dma_wait3A_1033 = arith.constant 0 : i32
    %dma_wait3A_1034 = tpu.memref_slice %arg4[%add3A_975, %dma_wait3A_1033] : memref<81920x128xf32, #tpu.memory_space<hbm>> -> memref<128x128xf32, #tpu.memory_space<hbm>>
    %dma_wait3A_1035 = arith.constant 0 : i32
    %dma_wait3A_1036 = tpu.memref_slice %arg4[%add3A_975, %dma_wait3A_1035] : memref<81920x128xf32, #tpu.memory_space<hbm>> -> memref<128x128xf32, #tpu.memory_space<hbm>>
    %dma_wait3A_1037 = arith.constant 0 : i32
    %dma_wait3A_1038 = arith.constant 0 : i32
    %dma_wait3A_1039 = tpu.memref_slice %arg6[%dma_wait3A_1028, %dma_wait3A_1037, %dma_wait3A_1038] : memref<4x128x128xf32, #tpu.memory_space<vmem>> -> memref<1x128x128xf32, #tpu.memory_space<vmem>>
    %dma_wait3A_1040 = tpu.memref_squeeze %dma_wait3A_1039 : memref<1x128x128xf32, #tpu.memory_space<vmem>> -> memref<128x128xf32, #tpu.memory_space<vmem>>
    tpu.wait_dma2 semaphore(%arg14 : memref<!tpu.dma_semaphore, #tpu.memory_space<semaphore_mem>>) src(%dma_wait3A_1040 : memref<128x128xf32, #tpu.memory_space<vmem>>) dst(%dma_wait3A_1036 : memref<128x128xf32, #tpu.memory_space<hbm>>)
    return
  }
}

module attributes {stable_mosaic.version = 14 : i64} {
  func.func @_gru_body(%arg0: i32, %arg1: i32, %arg2: memref<1x4096x128xf32, #tpu.memory_space<vmem>>, %arg3: memref<1x4096x128xf32, #tpu.memory_space<vmem>>, %arg4: memref<256x256xbf16, #tpu.memory_space<vmem>>, %arg5: memref<128x128xbf16, #tpu.memory_space<vmem>>, %arg6: memref<128x128xbf16, #tpu.memory_space<vmem>>, %arg7: memref<1x256xf32, #tpu.memory_space<vmem>>, %arg8: memref<1x128xf32, #tpu.memory_space<vmem>>, %arg9: memref<1x128xf32, #tpu.memory_space<vmem>>, %arg10: memref<1x4096x128xf32, #tpu.memory_space<vmem>>, %arg11: memref<1x4096x128xf32, #tpu.memory_space<vmem>>, %arg12: memref<4096x128xf32, #tpu.memory_space<vmem>>) attributes {dimension_semantics = [#tpu.dimension_semantics<parallel>, #tpu.dimension_semantics<arbitrary>], iteration_bounds = array<i64: 1, 20>, scalar_prefetch = 0 : i64, scratch_operands = 1 : i64, tpu.core_type = #tpu.core_type<tc>, window_params = [{transform_indices = @transform_0, window_bounds = array<i64: 1, 4096, 128>}, {transform_indices = @transform_1, window_bounds = array<i64: 1, 4096, 128>}, {pipeline_mode = #tpu.pipeline_mode<synchronous>, transform_indices = @transform_2, window_bounds = array<i64: 256, 256>}, {pipeline_mode = #tpu.pipeline_mode<synchronous>, transform_indices = @transform_3, window_bounds = array<i64: 128, 128>}, {pipeline_mode = #tpu.pipeline_mode<synchronous>, transform_indices = @transform_4, window_bounds = array<i64: 128, 128>}, {pipeline_mode = #tpu.pipeline_mode<synchronous>, transform_indices = @transform_5, window_bounds = array<i64: 1, 256>}, {pipeline_mode = #tpu.pipeline_mode<synchronous>, transform_indices = @transform_6, window_bounds = array<i64: 1, 128>}, {pipeline_mode = #tpu.pipeline_mode<synchronous>, transform_indices = @transform_7, window_bounds = array<i64: 1, 128>}, {transform_indices = @transform_8, window_bounds = array<i64: 1, 4096, 128>}, {transform_indices = @transform_9, window_bounds = array<i64: 1, 4096, 128>}]} {
    %eq3A = arith.constant 0 : i32
    %eq3A_0 = arith.cmpi eq, %arg1, %eq3A : i32
    %convert_element_type3A = arith.extui %eq3A_0 : i1 to i32
    %cond3A = arith.constant 0 : i32
    %cond3A_1 = arith.cmpi ne, %convert_element_type3A, %cond3A : i32
    scf.if %cond3A_1 {
      %get3A_76 = arith.constant 0 : index
      %get3A_77 = arith.constant 0 : index
      %get3A_78 = arith.constant 0 : index
      %get3A_79 = vector.load %arg3[%get3A_76, %get3A_77, %get3A_78] : memref<1x4096x128xf32, #tpu.memory_space<vmem>>, vector<1x4096x128xf32>
      %get3A_80 = vector.shape_cast %get3A_79 : vector<1x4096x128xf32> to vector<4096x128xf32>
      %swap3A_81 = arith.constant 0 : index
      %swap3A_82 = arith.constant 0 : index
      %swap3A_83 = vector.load %arg12[%swap3A_81, %swap3A_82] : memref<4096x128xf32, #tpu.memory_space<vmem>>, vector<4096x128xf32>
      tpu.vector_store %arg12[%swap3A_81, %swap3A_82], %get3A_80 {strides = array<i32>} : memref<4096x128xf32, #tpu.memory_space<vmem>>, vector<4096x128xf32>,
    } else {
    }
    %get3A = arith.constant 0 : index
    %get3A_2 = arith.constant 0 : index
    %get3A_3 = arith.constant 0 : index
    %get3A_4 = vector.load %arg2[%get3A, %get3A_2, %get3A_3] : memref<1x4096x128xf32, #tpu.memory_space<vmem>>, vector<1x4096x128xf32>
    %get3A_5 = vector.shape_cast %get3A_4 : vector<1x4096x128xf32> to vector<4096x128xf32>
    %convert_element_type3A_6 = arith.truncf %get3A_5 : vector<4096x128xf32> to vector<4096x128xbf16>
    %get3A_7 = arith.constant 0 : index
    %get3A_8 = arith.constant 0 : index
    %get3A_9 = vector.load %arg12[%get3A_7, %get3A_8] : memref<4096x128xf32, #tpu.memory_space<vmem>>, vector<4096x128xf32>
    %convert_element_type3A_10 = arith.truncf %get3A_9 : vector<4096x128xf32> to vector<4096x128xbf16>
    %concatenate3A = tpu.concatenate %convert_element_type3A_6, %convert_element_type3A_10 in 1 : vector<4096x128xbf16>, vector<4096x128xbf16> -> vector<4096x256xbf16>
    %get3A_11 = arith.constant 0 : index
    %get3A_12 = arith.constant 0 : index
    %get3A_13 = vector.load %arg4[%get3A_11, %get3A_12] : memref<256x256xbf16, #tpu.memory_space<vmem>>, vector<256x256xbf16>
    %dot_general3A = arith.constant dense<0.000000e+00> : vector<4096x256xf32>
    %dot_general3A_14 = tpu.matmul %concatenate3A, %get3A_13, %dot_general3A {dimension_numbers = #tpu.dot_dimension_numbers<[1], [0], [0], [1], [0, 0, 1, 1], [], []>, transpose_lhs_hint = false} : vector<4096x256xbf16>, vector<256x256xbf16>, vector<4096x256xf32> -> vector<4096x256xf32>
    %get3A_15 = arith.constant 0 : index
    %get3A_16 = arith.constant 0 : index
    %get3A_17 = vector.load %arg7[%get3A_15, %get3A_16] : memref<1x256xf32, #tpu.memory_space<vmem>>, vector<1x256xf32>
    %add3A = vector.broadcast %get3A_17 : vector<1x256xf32> to vector<4096x256xf32>
    %add3A_18 = arith.addf %dot_general3A_14, %add3A : vector<4096x256xf32>
    %get3A_19 = arith.constant 0 : index
    %get3A_20 = arith.constant 0 : index
    %get3A_21 = vector.load %arg5[%get3A_19, %get3A_20] : memref<128x128xbf16, #tpu.memory_space<vmem>>, vector<128x128xbf16>
    %dot_general3A_22 = arith.constant dense<0.000000e+00> : vector<4096x128xf32>
    %dot_general3A_23 = tpu.matmul %convert_element_type3A_6, %get3A_21, %dot_general3A_22 {dimension_numbers = #tpu.dot_dimension_numbers<[1], [0], [0], [1], [0, 0, 1, 1], [], []>, transpose_lhs_hint = false} : vector<4096x128xbf16>, vector<128x128xbf16>, vector<4096x128xf32> -> vector<4096x128xf32>
    %get3A_24 = arith.constant 0 : index
    %get3A_25 = arith.constant 0 : index
    %get3A_26 = vector.load %arg8[%get3A_24, %get3A_25] : memref<1x128xf32, #tpu.memory_space<vmem>>, vector<1x128xf32>
    %add3A_27 = vector.broadcast %get3A_26 : vector<1x128xf32> to vector<4096x128xf32>
    %add3A_28 = arith.addf %dot_general3A_23, %add3A_27 : vector<4096x128xf32>
    %get3A_29 = arith.constant 0 : index
    %get3A_30 = arith.constant 0 : index
    %get3A_31 = vector.load %arg6[%get3A_29, %get3A_30] : memref<128x128xbf16, #tpu.memory_space<vmem>>, vector<128x128xbf16>
    %dot_general3A_32 = arith.constant dense<0.000000e+00> : vector<4096x128xf32>
    %dot_general3A_33 = tpu.matmul %convert_element_type3A_10, %get3A_31, %dot_general3A_32 {dimension_numbers = #tpu.dot_dimension_numbers<[1], [0], [0], [1], [0, 0, 1, 1], [], []>, transpose_lhs_hint = false} : vector<4096x128xbf16>, vector<128x128xbf16>, vector<4096x128xf32> -> vector<4096x128xf32>
    %get3A_34 = arith.constant 0 : index
    %get3A_35 = arith.constant 0 : index
    %get3A_36 = vector.load %arg9[%get3A_34, %get3A_35] : memref<1x128xf32, #tpu.memory_space<vmem>>, vector<1x128xf32>
    %add3A_37 = vector.broadcast %get3A_36 : vector<1x128xf32> to vector<4096x128xf32>
    %add3A_38 = arith.addf %dot_general3A_33, %add3A_37 : vector<4096x128xf32>
    %slice3A = vector.extract_strided_slice %add3A_18 {offsets = [0, 0], sizes = [4096, 128], strides = [1, 1]} : vector<4096x256xf32> to vector<4096x128xf32>
    %mul3A = arith.constant 5.000000e-01 : f32
    %mul3A_39 = vector.broadcast %mul3A : f32 to vector<4096x128xf32>
    %mul3A_40 = arith.mulf %mul3A_39, %slice3A : vector<4096x128xf32>
    %tanh3A = math.tanh %mul3A_40 : vector<4096x128xf32>
    %mul3A_41 = arith.constant 5.000000e-01 : f32
    %mul3A_42 = vector.broadcast %mul3A_41 : f32 to vector<4096x128xf32>
    %mul3A_43 = arith.mulf %mul3A_42, %tanh3A : vector<4096x128xf32>
    %add3A_44 = arith.constant 5.000000e-01 : f32
    %add3A_45 = vector.broadcast %add3A_44 : f32 to vector<4096x128xf32>
    %add3A_46 = arith.addf %add3A_45, %mul3A_43 : vector<4096x128xf32>
    %slice3A_47 = vector.extract_strided_slice %add3A_18 {offsets = [0, 128], sizes = [4096, 128], strides = [1, 1]} : vector<4096x256xf32> to vector<4096x128xf32>
    %mul3A_48 = arith.constant 5.000000e-01 : f32
    %mul3A_49 = vector.broadcast %mul3A_48 : f32 to vector<4096x128xf32>
    %mul3A_50 = arith.mulf %mul3A_49, %slice3A_47 : vector<4096x128xf32>
    %tanh3A_51 = math.tanh %mul3A_50 : vector<4096x128xf32>
    %mul3A_52 = arith.constant 5.000000e-01 : f32
    %mul3A_53 = vector.broadcast %mul3A_52 : f32 to vector<4096x128xf32>
    %mul3A_54 = arith.mulf %mul3A_53, %tanh3A_51 : vector<4096x128xf32>
    %add3A_55 = arith.constant 5.000000e-01 : f32
    %add3A_56 = vector.broadcast %add3A_55 : f32 to vector<4096x128xf32>
    %add3A_57 = arith.addf %add3A_56, %mul3A_54 : vector<4096x128xf32>
    %mul3A_58 = arith.mulf %add3A_46, %add3A_38 : vector<4096x128xf32>
    %add3A_59 = arith.addf %add3A_28, %mul3A_58 : vector<4096x128xf32>
    %tanh3A_60 = math.tanh %add3A_59 : vector<4096x128xf32>
    %sub3A = arith.subf %get3A_9, %tanh3A_60 : vector<4096x128xf32>
    %mul3A_61 = arith.mulf %add3A_57, %sub3A : vector<4096x128xf32>
    %add3A_62 = arith.addf %tanh3A_60, %mul3A_61 : vector<4096x128xf32>
    %swap3A = arith.constant 0 : index
    %swap3A_63 = arith.constant 0 : index
    %swap3A_64 = vector.load %arg12[%swap3A, %swap3A_63] : memref<4096x128xf32, #tpu.memory_space<vmem>>, vector<4096x128xf32>
    tpu.vector_store %arg12[%swap3A, %swap3A_63], %add3A_62 {strides = array<i32>} : memref<4096x128xf32, #tpu.memory_space<vmem>>, vector<4096x128xf32>,
    %swap3A_65 = arith.constant 0 : index
    %swap3A_66 = arith.constant 0 : index
    %swap3A_67 = arith.constant 0 : index
    %swap3A_68 = vector.load %arg10[%swap3A_65, %swap3A_66, %swap3A_67] : memref<1x4096x128xf32, #tpu.memory_space<vmem>>, vector<1x4096x128xf32>
    %swap3A_69 = vector.shape_cast %swap3A_68 : vector<1x4096x128xf32> to vector<4096x128xf32>
    %swap3A_70 = vector.shape_cast %add3A_62 : vector<4096x128xf32> to vector<1x4096x128xf32>
    tpu.vector_store %arg10[%swap3A_65, %swap3A_66, %swap3A_67], %swap3A_70 {strides = array<i32>} : memref<1x4096x128xf32, #tpu.memory_space<vmem>>, vector<1x4096x128xf32>,
    %eq3A_71 = arith.constant 19 : i32
    %eq3A_72 = arith.cmpi eq, %arg1, %eq3A_71 : i32
    %convert_element_type3A_73 = arith.extui %eq3A_72 : i1 to i32
    %cond3A_74 = arith.constant 0 : i32
    %cond3A_75 = arith.cmpi ne, %convert_element_type3A_73, %cond3A_74 : i32
    scf.if %cond3A_75 {
      %swap3A_76 = arith.constant 0 : index
      %swap3A_77 = arith.constant 0 : index
      %swap3A_78 = arith.constant 0 : index
      %swap3A_79 = vector.load %arg11[%swap3A_76, %swap3A_77, %swap3A_78] : memref<1x4096x128xf32, #tpu.memory_space<vmem>>, vector<1x4096x128xf32>
      %swap3A_80 = vector.shape_cast %swap3A_79 : vector<1x4096x128xf32> to vector<4096x128xf32>
      %swap3A_81 = vector.shape_cast %add3A_62 : vector<4096x128xf32> to vector<1x4096x128xf32>
      tpu.vector_store %arg11[%swap3A_76, %swap3A_77, %swap3A_78], %swap3A_81 {strides = array<i32>} : memref<1x4096x128xf32, #tpu.memory_space<vmem>>, vector<1x4096x128xf32>,
    } else {
    }
    return
  }
  func.func @transform_0(%arg0: i32, %arg1: i32) -> (i32, i32, i32) {
    %c0_i32 = arith.constant 0 : i32
    %c0_i32_0 = arith.constant 0 : i32
    return %arg1, %arg0, %c0_i32 : i32, i32, i32
  }
  func.func @transform_1(%arg0: i32, %arg1: i32) -> (i32, i32, i32) {
    %c0_i32 = arith.constant 0 : i32
    %c0_i32_0 = arith.constant 0 : i32
    %c0_i32_1 = arith.constant 0 : i32
    return %c0_i32, %arg0, %c0_i32_0 : i32, i32, i32
  }
  func.func @transform_2(%arg0: i32, %arg1: i32) -> (i32, i32) {
    %c0_i32 = arith.constant 0 : i32
    %c0_i32_0 = arith.constant 0 : i32
    %c0_i32_1 = arith.constant 0 : i32
    return %c0_i32, %c0_i32_0 : i32, i32
  }
  func.func @transform_3(%arg0: i32, %arg1: i32) -> (i32, i32) {
    %c0_i32 = arith.constant 0 : i32
    %c0_i32_0 = arith.constant 0 : i32
    %c0_i32_1 = arith.constant 0 : i32
    return %c0_i32, %c0_i32_0 : i32, i32
  }
  func.func @transform_4(%arg0: i32, %arg1: i32) -> (i32, i32) {
    %c0_i32 = arith.constant 0 : i32
    %c0_i32_0 = arith.constant 0 : i32
    %c0_i32_1 = arith.constant 0 : i32
    return %c0_i32, %c0_i32_0 : i32, i32
  }
  func.func @transform_5(%arg0: i32, %arg1: i32) -> (i32, i32) {
    %c0_i32 = arith.constant 0 : i32
    %c0_i32_0 = arith.constant 0 : i32
    %c0_i32_1 = arith.constant 0 : i32
    return %c0_i32, %c0_i32_0 : i32, i32
  }
  func.func @transform_6(%arg0: i32, %arg1: i32) -> (i32, i32) {
    %c0_i32 = arith.constant 0 : i32
    %c0_i32_0 = arith.constant 0 : i32
    %c0_i32_1 = arith.constant 0 : i32
    return %c0_i32, %c0_i32_0 : i32, i32
  }
  func.func @transform_7(%arg0: i32, %arg1: i32) -> (i32, i32) {
    %c0_i32 = arith.constant 0 : i32
    %c0_i32_0 = arith.constant 0 : i32
    %c0_i32_1 = arith.constant 0 : i32
    return %c0_i32, %c0_i32_0 : i32, i32
  }
  func.func @transform_8(%arg0: i32, %arg1: i32) -> (i32, i32, i32) {
    %c0_i32 = arith.constant 0 : i32
    %c0_i32_0 = arith.constant 0 : i32
    return %arg1, %arg0, %c0_i32 : i32, i32, i32
  }
  func.func @transform_9(%arg0: i32, %arg1: i32) -> (i32, i32, i32) {
    %c0_i32 = arith.constant 0 : i32
    %c0_i32_0 = arith.constant 0 : i32
    %c0_i32_1 = arith.constant 0 : i32
    return %c0_i32, %arg0, %c0_i32_0 : i32, i32, i32
  }
}

</mosaic_0001>

<sc_bundles>
// kernel: kernel.4.cloned.1.call-start
scs
__scs_entry_jumppad:
0x0: {  	(pc) =	sbr.rel $0x88, $3  }
0x1: {  	(tag) =	ssettag $0x0;
	lr =	simm.s32 $0x1  }
0x2: {  	[smem:$0x3F9A] =	sst lr;
	_ =	strace $0xD0000000  }
0x3: {  	_ = 	snop  }
0x4: {  	_ = 	snop  }
0x5: {  	_ = 	snop  }
0x6: {  	_ = 	snop  }
0x7: {  	_ = 	snop  }
__scs_overlays_trampoline_lowered:
0x8: {  	[smem:$0x3FA9] =	sst s0  }
0x9: {  	[smem:$0x3FAA] =	sst s1  }
0xa: {  	[smem:$0x3FAB] =	sst s2  }
0xb: {  	[smem:$0x3FAC] =	sst s3  }
0xc: {  	[smem:$0x3FAD] =	sst s4  }
0xd: {  	[smem:$0x3FAE] =	sst s5  }
0xe: {  	[smem:$0x3FAF] =	sst s6  }
0xf: {  	[smem:$0x3FB0] =	sst s7  }
0x10: {  	[smem:$0x3FB1] =	sst s8  }
0x11: {  	[smem:$0x3FB2] =	sst s9;
	s0 =	simm.s32 @!p0 $0x0  }
0x12: {  	s1 =	sld [smem:$0x3F98];
	s0 =	simm.s32 @p0 $0x1  }
0x13: {  	[smem:$0x3FB3] =	sst s0;
	s0 =	simm.s32 @!p1 $0x0  }
0x14: {  	s2 =	sld [smem:$0x3F97];
	s0 =	simm.s32 @p1 $0x1  }
0x15: {  	[smem:$0x3FB4] =	sst s0;
	s0 =	simm.s32 @!p2 $0x0  }
0x16: {  	s3 =	sld [smem:$0x3FDB];
	s0 =	simm.s32 @p2 $0x1  }
0x17: {  	s4 =	simm.s32 $0x1BF5;
	[smem:$0x3FB6] =	sst s0  }
0x18: {  	s0 =	sld [smem:$0x3F99];
	_ =	swait.ge [sflag:s4], $0x0  }
0x19: {  	s7 =	sld [smem:$0x3F9A]  }
0x1a: {  	s8 =	sadd.s32 $0xFFFFE003, lr  }
0x1b: {  	s9 =	sadd.s32 $0xFFFFFEF7, lr;
	s5 =	simm.s32 $0xFFFFFFFF;
	p2 =	slt.u32 s8, $0xFFFFF086  }
0x1c: {  	p1 =	slt.u32 s9, $0xF7A;
	s5 =	simm.s32 @!p2 $0x0  }
0x1d: {  	s5 =	simm.s32 @p1 $0x1;
	p0 =	seq.s32 s7, s2  }
0x1e: {  	s7 =	smul.u32 @!p0 $0xF7A, s2;
	p2 =	seq.s32 @!p0 s5, $0x0  }
0x1f: {  	s9 =	smul.u32 $0xF7A, s1;
	s8 =	simm.s32 @!p0 $0x1BF5;
	p2 =	por !p2, p0  }
0x20: {  	[sflag:s8] =	ssyncset.s32 @!p0 $0xFFFFF086;
	s6 =	sadd.s32 @!p0 s3, s7;
	s7 =	simm.s32 @!p0 $0x108  }
0x21: {  	s3 =	sadd.s32 s3, s9;
	s6 =	sadd.s32 @!p0 $0x88, s6;
	s7 =	simm.s32 @p2 $0x1082  }
0x22: {  	[simem:s7], [sflag:s8] =	dma.local @!p0 [hbm:s6], $0xF7A  }
0x23: {  	s9 =	sor.u32 $0xD0000000, s2;
	s6 =	simm.s32 $0x108;
	_ =	swait.ge @!p0 [sflag:s8], $0x0  }
0x24: {  	s3 =	sadd.s32 $0x88, s3;
	s6 =	simm.s32 @!p1 $0x1082;
	[sflag:s4] =	ssyncset.s32 $0xFFFFF086  }
0x25: {  	[simem:s6], [sflag:s4] =	dma.local [hbm:s3], $0xF7A  }
0x26: {  	[smem:$0x3F9A] =	sst s1;
	(tag) =	ssettag s2;
	_ =	strace s9  }
0x27: {  	s1 =	sld [smem:$0x3FAA]  }
0x28: {  	s2 =	sld [smem:$0x3FAB]  }
0x29: {  	s4 =	sld [smem:$0x3FAD]  }
0x2a: {  	p0 =	seq.s32 s5, $0x0;
	s5 =	sld [smem:$0x3FAE]  }
0x2b: {  	s6 =	sld [smem:$0x3FAF]  }
0x2c: {  	s7 =	sld [smem:$0x3FB0]  }
0x2d: {  	s3 =	simm.s32 $0x108;
	s8 =	sld [smem:$0x3FB1]  }
0x2e: {  	s3 =	simm.s32 @!p0 $0x1082;
	s9 =	sld [smem:$0x3FB2]  }
0x2f: {  	lr =	sadd.s32 s0, s3;
	s0 =	sld [smem:$0x3FA9]  }
0x30: {  	s3 =	sld [smem:$0x3FAC]  }
0x31: {  	[smem:$0x3FB5] =	sst s10  }
0x32: {  	s10 =	sld [smem:$0x3FB3];
	_ =	sdelay $0x3  }
0x33: {  	p0 =	seq.s32 s10, $0x1;
	s10 =	sld [smem:$0x3FB5];
	_ =	sdelay $0x3  }
0x34: {  	[smem:$0x3FB5] =	sst s10  }
0x35: {  	s10 =	sld [smem:$0x3FB4];
	_ =	sdelay $0x3  }
0x36: {  	p1 =	seq.s32 s10, $0x1;
	s10 =	sld [smem:$0x3FB5];
	_ =	sdelay $0x3  }
0x37: {  	[smem:$0x3FB5] =	sst s10  }
0x38: {  	s10 =	sld [smem:$0x3FB6]  }
0x39: {  	_ = 	snop;
	(pc) =	sbr.ind lr, $3  }
0x3a: {  	_ = 	snop  }
0x3b: {  	_ = 	snop  }
0x3c: {  	p2 =	seq.s32 s10, $0x1;
	s10 =	sld [smem:$0x3FB5]  }
0x3d: {  	_ =	shalt  }
0x3e: {  	_ =	shalt  }
0x3f: {  	_ =	shalt  }
0x40: {  	_ =	shalt  }
0x41: {  	_ =	shalt  }
0x42: {  	_ =	shalt  }
0x43: {  	_ =	shalt  }
0x44: {  	_ =	shalt  }
0x45: {  	_ =	shalt  }
0x46: {  	_ =	shalt  }
0x47: {  	_ =	shalt  }
0x48: {  	_ =	shalt  }
0x49: {  	_ =	shalt  }
0x4a: {  	_ =	shalt  }
0x4b: {  	_ =	shalt  }
0x4c: {  	_ =	shalt  }
0x4d: {  	_ =	shalt  }
0x4e: {  	_ =	shalt  }
0x4f: {  	_ =	shalt  }
0x50: {  	_ =	shalt  }
0x51: {  	_ =	shalt  }
0x52: {  	_ =	shalt  }
0x53: {  	_ =	shalt  }
0x54: {  	_ =	shalt  }
0x55: {  	_ =	shalt  }
0x56: {  	_ =	shalt  }
0x57: {  	_ =	shalt  }
0x58: {  	_ =	shalt  }
0x59: {  	_ =	shalt  }
0x5a: {  	_ =	shalt  }
0x5b: {  	_ =	shalt  }
0x5c: {  	_ =	shalt  }
0x5d: {  	_ =	shalt  }
0x5e: {  	_ =	shalt  }
0x5f: {  	_ =	shalt  }
0x60: {  	_ =	shalt  }
0x61: {  	_ =	shalt  }
0x62: {  	_ =	shalt  }
0x63: {  	_ =	shalt  }
0x64: {  	_ =	shalt  }
0x65: {  	_ =	shalt  }
0x66: {  	_ =	shalt  }
0x67: {  	_ =	shalt  }
0x68: {  	_ =	shalt  }
0x69: {  	_ =	shalt  }
0x6a: {  	_ =	shalt  }
0x6b: {  	_ =	shalt  }
0x6c: {  	_ =	shalt  }
0x6d: {  	_ =	shalt  }
0x6e: {  	_ =	shalt  }
0x6f: {  	_ =	shalt  }
0x70: {  	_ =	shalt  }
0x71: {  	_ =	shalt  }
0x72: {  	_ =	shalt  }
0x73: {  	_ =	shalt  }
0x74: {  	_ =	shalt  }
0x75: {  	_ =	shalt  }
0x76: {  	_ =	shalt  }
0x77: {  	_ =	shalt  }
0x78: {  	_ =	shalt  }
0x79: {  	_ =	shalt  }
0x7a: {  	_ =	shalt  }
0x7b: {  	_ =	shalt  }
0x7c: {  	_ =	shalt  }
0x7d: {  	_ =	shalt  }
0x7e: {  	_ =	shalt  }
0x7f: {  	_ =	shalt  }
0x80: {  	_ =	shalt  }
0x81: {  	_ =	shalt  }
0x82: {  	_ =	shalt  }
0x83: {  	_ =	shalt  }
0x84: {  	_ =	shalt  }
0x85: {  	_ =	shalt  }
0x86: {  	_ =	shalt  }
0x87: {  	_ =	shalt  }
.Lfunc_end0:
.L_simem_size_0:
called_computation_lowered:
.L_overlay_start_0:
0x88: {  	s2 =	sld [smem:$0x3FD9]  }
0x89: {  	s3 =	sld [smem:$0x3FFE];
	_ =	sdelay $0x1  }
0x8a: {  	s1 =	srdreg.scid  }
0x8b: {  	s0 =	sand.u32 $0x1, s1  }
0x8c: {  	s14 =	sshll.u32 s0, $0xA;
	s2 =	sadd.s32 s3, s2  }
0x8d: {  	s2 =	sadd.s32 s2, s14  }
0x8e: {  	[smem:$0x3FC1] =	sst s2  }
0x8f: {  	_ = 	snop  }
0x90: {  	s2 =	sld [smem:$0x3FD0];
	_ =	sdelay $0x2  }
0x91: {  	s4 =	simm.s32 $0xA;
	s5 =	simm.s32 $0x10;
	s15 =	sld [smem:$0x3FC7]  }
0x92: {  	[smem:s5], [sflag:s4] =	dma.local [hbm:s2], $0x1  }
0x93: {  	_ =	swait.eq [sflag:s4], $0x1  }
0x94: {  	[sflag:s4] =	ssyncset.done $0x0  }
0x95: {  	[sflag:s4] =	ssyncadd.s32 $0xFFFFFFFF  }
0x96: {  	s16 =	sld [smem:$0x11];
	(tm) =	ssettm $0x1  }
0x97: {  	s17 =	sld [smem:$0x3FFB];
	_ =	sdelay $0x3  }
0x98: {  	_ =	strace s17  }
0x99: {  	s4 =	sld [smem:$0x3FFC];
	_ =	sdelay $0x3  }
0x9a: {  	_ =	strace s4  }
0x9b: {  	s4 =	sld [smem:$0x3FFD];
	_ =	sdelay $0x3  }
0x9c: {  	_ =	strace s4  }
0x9d: {  	_ =	strace $0x8FFFFFFF  }
0x9e: {  	s18 =	sld [smem:$0x3FDB];
	_ =	sdelay $0x1  }
0x9f: {  	s19 =	simm.s32 $_scs_section_size  }
0xa0: {  	s6 =	simm.s32 $_size__tile_overlayer_lowered;
	s7 =	simm.s32 $_tile_overlayer_lowered  }
0xa1: {  	s22 =	simm.s32 $0x1BFF;
	s21 =	sshll.u32 s7, $0x1;
	s4 =	sadd.s32 s19, s18  }
0xa2: {  	s8 =	simm.s32 $0x0;
	s20 =	sshll.u32 s6, $0x1;
	s6 =	sadd.s32 s21, s4  }
0xa3: {  	[timem:s8], [sflag:s22] =	dma.local [hbm:s6], s20  }
0xa4: {  	_ =	swait.ge [sflag:s22], s20  }
0xa5: {  	s5 =	ssub.s32 $0x0, s20;
	[sflag:s22] =	ssyncset.done $0x0  }
0xa6: {  	[sflag:s22] =	ssyncadd.s32 s5;
	_ =	sdelay $0x1  }
0xa7: {  	s23 =	simm.s32 $0x1B8B  }
0xa8: {  	_ =	swait.ge [sflag:s23], $0x1  }
0xa9: {  	[sflag:s23] =	ssyncset.done $0x0  }
0xaa: {  	s25 =	simm.s32 $0x1B8E;
	s24 =	sld [smem:$0x3FFE];
	[sflag:s23] =	ssyncadd.s32 $0xFFFFFFFF  }
0xab: {  	s26 =	simm.s32 $execute0_lowered;
	[smem:$0x3FD2] =	sst s25  }
0xac: {  	s6 =	sshll.u32 s26, $0x1;
	_ =	strace $0x80000046;
	[dreg:$0x1] =	wrdreg $0xFFFFFFFF  }
0xad: {  	s28 =	simm.s32 $_size_execute0_lowered;
	s4 =	sadd.s32 s4, s6;
	[dreg:$0x0] =	wrdreg $0x0  }
0xae: {  	s6 =	sshll.u32 s28, $0x1;
	[dreg:$0x2] =	wrdreg s4  }
0xaf: {  	[dreg:$0x3] =	wrdreg s6  }
0xb0: {  	[dreg:$0x4] =	wrdreg $0xC0  }
0xb1: {  	_ =	task [dreg:s8], $0x5FFFF  }
0xb2: {  	[dreg:$0x1] =	wrdreg $0xFFFFFFFF  }
0xb3: {  	[dreg:$0x0] =	wrdreg $0x60  }
0xb4: {  	[dreg:$0x2] =	wrdreg s16  }
0xb5: {  	[dreg:$0x3] =	wrdreg s15  }
0xb6: {  	[dreg:$0x4] =	wrdreg s24  }
0xb7: {  	[dreg:$0x5] =	wrdreg $0x9  }
0xb8: {  	_ =	task.clear_ibuf [dreg:s8], $0x6FFFF;
	_ =	strace $0x90000046  }
0xb9: {  	s29 =	simm.s32 $0x9;
	_ =	strace $0x80000048  }
0xba: {  	_ =	swait.ge [sflag:s29], $0x1  }
0xbb: {  	[sflag:s29] =	ssyncadd.s32 $0xFFFFFFFF  }
0xbc: {  	_ =	strace $0x90000048  }
0xbd: {  	_ =	sfence  }
0xbe: {  	s30 =	sld [smem:$0x0];
	_ =	sdelay $0x2  }
0xbf: {  	s31 =	sshll.u32 s1, $0xD;
	s1 =	sshrl.u32 s1, $0x2  }
0xc0: {  	s3 =	sand.u32 $0x4000, s31;
	s1 =	sadd.s32 s1, s30  }
0xc1: {  	s0 =	sor.u32 s3, s0;
	s1 =	sshll.u32 s1, $0x11  }
0xc2: {  	s0 =	sor.u32 s1, s0  }
0xc3: {  	s0 =	sadd.s32 $0x8F2B, s0  }
0xc4: {  	[sflag:s0] =	ssyncadd.remote.s32 $0x1  }
0xc5: {  	_ =	sfence.sel $0xFFFF  }
0xc6: {  	[dreg:$0x0] =	wrdreg $0xFFFFFFFF;
	(pc) =	sbr.abs _section_cstart, $3  }
0xc7: {  	[dreg:$0x1] =	wrdreg $0xFFFFFFFF  }
0xc8: {  	_ =	task.clear_ibuf [dreg:s8], $0x2FFFF;
	_ =	strace $0x9FFFFFFF  }
0xc9: {  	(tm) =	ssettm $0x7FFFFFFF  }
tec
execute0_lowered:
.L_overlay_start_1:
0x0: {  	(tag) =	ssettag $0x1  }
0x1: {  	s1 =	srdreg.scid;
	s17 =	stileid.u32  }
0x2: {  	s1 =	sand.u32 $0x1, s1;
	s2 =	sshll.u32 s17, $0x1  }
0x3: {  	s0 =	rddreg [dreg:$0x0];
	s5 =	sor.u32 s1, s2  }
0x4: {  	s3 =	rddreg [dreg:$0x1];
	s6 =	smul.u32 $0x180, s5  }
0x5: {  	s4 =	rddreg [dreg:$0x2];
	s2 =	simm.s32 $0x0;
	s7 =	smul.u32 $0xA000, s5  }
0x6: {  	s4 =	sadd.s32 $0x1000, s4;
	[smem:$0x7FF] =	sst s2  }
0x7: {  	s5 =	smul.u32 $0x50000, s5;
	s0 =	sadd.s32 s0, s6;
	s25 =	sadd.s32 s4, s7  }
0x8: {  	_ =	strace $0x80000047;
	[dreg:$0x4] =	wrdreg s0;
	s19 =	sadd.s32 $0x800, s25  }
0x9: {  	s20 =	sadd.s32 $0x1000, s25;
	[dreg:$0x5] =	wrdreg s19  }
0xa: {  	s5 =	sshrl.u32 s5, $0x3;
	s21 =	sadd.s32 $0x1800, s25;
	[dreg:$0x6] =	wrdreg s20  }
0xb: {  	s4 =	sadd.s32 s4, s5;
	[dreg:$0x7] =	wrdreg s21  }
0xc: {  	s22 =	sadd.s32 $0x2000, s4;
	s0 =	rddreg [dreg:$0x4]  }
0xd: {  	s23 =	sadd.s32 $0x2800, s4;
	[dreg:$0x8] =	wrdreg s22  }
0xe: {  	s24 =	sadd.s32 $0x3000, s4;
	[dreg:$0x9] =	wrdreg s23  }
0xf: {  	s31 =	simm.s32 $0x9;
	s26 =	sadd.s32 $0x3800, s4;
	[dreg:$0xa] =	wrdreg s24  }
0x10: {  	s30 =	simm.s32 $0x480;
	s5 =	sadd.s32 $0x4000, s4;
	[dreg:$0xb] =	wrdreg s26  }
0x11: {  	s29 =	simm.s32 $0x500;
	s6 =	sadd.s32 $0x4800, s4;
	[dreg:$0xc] =	wrdreg s5  }
0x12: {  	s28 =	simm.s32 $0x580;
	s7 =	sadd.s32 $0x5000, s4;
	[dreg:$0xd] =	wrdreg s6  }
0x13: {  	p0 =	por $0x0, $0x0;
	s8 =	sadd.s32 $0x5800, s4;
	[dreg:$0xe] =	wrdreg s7  }
0x14: {  	s1 =	ssub.s32 $0x2, s1;
	s9 =	sadd.s32 $0x6000, s4;
	[dreg:$0xf] =	wrdreg s8  }
0x15: {  	s15 =	sshrl.u32 s1, $0x1;
	s10 =	sadd.s32 $0x6800, s4;
	[dreg:$0x10] =	wrdreg s9  }
0x16: {  	s1 =	ssub.s32 s1, s15;
	s11 =	sadd.s32 $0x7000, s4;
	[dreg:$0x11] =	wrdreg s10  }
0x17: {  	s15 =	simm.s32 $0x1;
	s12 =	sadd.s32 $0x7800, s4;
	[dreg:$0x12] =	wrdreg s11  }
0x18: {  	s13 =	sadd.s32 $0x8000, s4;
	s14 =	sadd.s32 $0x8800, s4;
	[dreg:$0x13] =	wrdreg s12  }
0x19: {  	s16 =	sadd.s32 $0x9000, s4;
	s18 =	sadd.s32 $0x9800, s4;
	[dreg:$0x14] =	wrdreg s13  }
0x1a: {  	s19 =	smax.u32 s1, $0x1;
	s20 =	simm.s32 $0x100;
	[dreg:$0x15] =	wrdreg s14  }
0x1b: {  	s21 =	simm.s32 $0x180;
	s4 =	simm.s32 $0xCC00;
	[dreg:$0x16] =	wrdreg s16  }
0x1c: {  	[dreg:$0x17] =	wrdreg s18;
	s12 =	simm.s32 $0x80;
	s11 =	simm.s32 $0xC00  }
0x1d: {  	[dreg:$0x18] =	wrdreg s20;
	s10 =	simm.s32 $0x4C00;
	s8 =	simm.s32 $0x8C00  }
0x1e: {  	[dreg:$0x19] =	wrdreg s21;
	s22 =	simm.s32 $0x200;
	s5 =	simm.s32 $0x5  }
0x1f: {  	s23 =	simm.s32 $0x280;
	s16 =	simm.s32 $0x2;
	s6 =	simm.s32 $0x6  }
0x20: {  	s14 =	simm.s32 $0x3;
	s7 =	simm.s32 $0x7;
	s24 =	simm.s32 $0x300  }
0x21: {  	s13 =	simm.s32 $0x4;
	s26 =	simm.s32 $0x380;
	p1 =	sne.s32 s19, $0x1  }
.Ltmp0:
0x22: {  	s9 =	simm.s32 $0x8;
	[dreg:$0x1a] =	wrdreg s22;
	(pc) =	sbr.rel @!p1 .LBB2_1-.Ltmp0, $4  }
0x23: {  	s1 =	sadd.s32 $0xFFFFFFFF, s19;
	s21 =	simm.s32 $0x800;
	[dreg:$0x1b] =	wrdreg s23  }
0x24: {  	s20 =	simm.s32 $0x880;
	s19 =	simm.s32 $0x900;
	[dreg:$0x1c] =	wrdreg s24  }
0x25: {  	s18 =	simm.s32 $0x980;
	[dreg:$0x1d] =	wrdreg s26;
	s26 =	simm.s32 $0x600  }
0x26: {  	s24 =	simm.s32 $0x680;
	s23 =	simm.s32 $0x700;
	s22 =	simm.s32 $0x780  }
0x27: {  	[tilespmem:s2], [sflag:$0x9] =	stream.linear.gather [hbm4b:s0+s2], $0xA00, $0x38;
	[tilespmem:$0x10C00] =	vst v63  }
0x28: {  	_ =	swait.ge [sflag:s31], $0xA00  }
0x29: {  	[sflag:s31] =	ssyncset.done $0x0  }
0x2a: {  	[sflag:s31] =	ssyncadd.s32 $0xFFFFF600  }
0x2b: {  	[tilespmem:s11], [sflag:$0x1] =	stream.indirect.gather [hbm4b:s3+s12], $0x80, s2, s12, $0xb8;
	[tilespmem:$0x10C00] =	vst v63  }
0x2c: {  	_ = 	snop  }
0x2d: {  	[tilespmem:s10], [sflag:$0x2] =	stream.indirect.gather [hbm4b:s3+s12], $0x80, s12, s12, $0xb8;
	[tilespmem:$0x10C00] =	vst v63  }
0x2e: {  	s0 =	rddreg [dreg:$0x18]  }
0x2f: {  	[tilespmem:s8], [sflag:$0x3] =	stream.indirect.gather [hbm4b:s3+s12], $0x80, s0, s12, $0xb8;
	[tilespmem:$0x10C00] =	vst v63  }
0x30: {  	s17 =	smov.u32 s1;
	s1 =	rddreg [dreg:$0x19]  }
0x31: {  	[tilespmem:s4], [sflag:$0x4] =	stream.indirect.gather [hbm4b:s3+s12], $0x80, s1, s12, $0xb8;
	[tilespmem:$0x10C00] =	vst v63  }
0x32: {  	_ =	swait.ge [sflag:s15], $0x4000  }
0x33: {  	[sflag:s15] =	ssyncset.done $0x0  }
0x34: {  	[sflag:s15] =	ssyncadd.s32 $0xFFFFC000  }
0x35: {  	[hbm4b:s25+s2] =	stream.linear.scatter [tilespmem:s11], [sflag:$0x5], $0x4000, $0x38;
	[tilespmem:$0x10C00] =	vst v63  }
0x36: {  	_ =	swait.ge [sflag:s5], $0x4000  }
0x37: {  	[sflag:s5] =	ssyncset.done $0x0  }
0x38: {  	s1 =	rddreg [dreg:$0x1a];
	[sflag:s5] =	ssyncadd.s32 $0xFFFFC000  }
0x39: {  	[tilespmem:s11], [sflag:$0x1] =	stream.indirect.gather [hbm4b:s3+s12], $0x80, s1, s12, $0xb8;
	[tilespmem:$0x10C00] =	vst v63  }
0x3a: {  	_ =	swait.ge [sflag:s16], $0x4000  }
0x3b: {  	[sflag:s16] =	ssyncset.done $0x0  }
0x3c: {  	s1 =	rddreg [dreg:$0x5];
	[sflag:s16] =	ssyncadd.s32 $0xFFFFC000  }
0x3d: {  	[hbm4b:s1+s2] =	stream.linear.scatter [tilespmem:s10], [sflag:$0x6], $0x4000, $0x38;
	[tilespmem:$0x10C00] =	vst v63  }
0x3e: {  	_ =	swait.ge [sflag:s6], $0x4000  }
0x3f: {  	[sflag:s6] =	ssyncset.done $0x0  }
0x40: {  	s1 =	rddreg [dreg:$0x1b];
	[sflag:s6] =	ssyncadd.s32 $0xFFFFC000  }
0x41: {  	[tilespmem:s10], [sflag:$0x2] =	stream.indirect.gather [hbm4b:s3+s12], $0x80, s1, s12, $0xb8;
	[tilespmem:$0x10C00] =	vst v63  }
0x42: {  	_ =	swait.ge [sflag:s14], $0x4000  }
0x43: {  	[sflag:s14] =	ssyncset.done $0x0  }
0x44: {  	s1 =	rddreg [dreg:$0x6];
	[sflag:s14] =	ssyncadd.s32 $0xFFFFC000  }
0x45: {  	[hbm4b:s1+s2] =	stream.linear.scatter [tilespmem:s8], [sflag:$0x7], $0x4000, $0x38;
	[tilespmem:$0x10C00] =	vst v63  }
0x46: {  	_ =	swait.ge [sflag:s7], $0x4000  }
0x47: {  	[sflag:s7] =	ssyncset.done $0x0  }
0x48: {  	s1 =	rddreg [dreg:$0x1c];
	[sflag:s7] =	ssyncadd.s32 $0xFFFFC000  }
0x49: {  	[tilespmem:s8], [sflag:$0x3] =	stream.indirect.gather [hbm4b:s3+s12], $0x80, s1, s12, $0xb8;
	[tilespmem:$0x10C00] =	vst v63  }
0x4a: {  	_ =	swait.ge [sflag:s13], $0x4000  }
0x4b: {  	[sflag:s13] =	ssyncset.done $0x0  }
0x4c: {  	s1 =	rddreg [dreg:$0x7];
	[sflag:s13] =	ssyncadd.s32 $0xFFFFC000  }
0x4d: {  	[hbm4b:s1+s2] =	stream.linear.scatter [tilespmem:s4], [sflag:$0x8], $0x4000, $0x38;
	[tilespmem:$0x10C00] =	vst v63  }
0x4e: {  	_ =	swait.ge [sflag:s9], $0x4000  }
0x4f: {  	[sflag:s9] =	ssyncset.done $0x0  }
0x50: {  	s1 =	rddreg [dreg:$0x1d];
	[sflag:s9] =	ssyncadd.s32 $0xFFFFC000  }
0x51: {  	[tilespmem:s4], [sflag:$0x4] =	stream.indirect.gather [hbm4b:s3+s12], $0x80, s1, s12, $0xb8;
	[tilespmem:$0x10C00] =	vst v63  }
0x52: {  	_ =	swait.ge [sflag:s15], $0x4000  }
0x53: {  	[sflag:s15] =	ssyncset.done $0x0  }
0x54: {  	s1 =	rddreg [dreg:$0x8];
	[sflag:s15] =	ssyncadd.s32 $0xFFFFC000  }
0x55: {  	[hbm4b:s1+s2] =	stream.linear.scatter [tilespmem:s11], [sflag:$0x5], $0x4000, $0x38;
	[tilespmem:$0x10C00] =	vst v63  }
0x56: {  	_ =	swait.ge [sflag:s5], $0x4000  }
0x57: {  	[sflag:s5] =	ssyncset.done $0x0  }
0x58: {  	s1 =	simm.s32 $0x400;
	[sflag:s5] =	ssyncadd.s32 $0xFFFFC000  }
0x59: {  	[tilespmem:s11], [sflag:$0x1] =	stream.indirect.gather [hbm4b:s3+s12], $0x80, s1, s12, $0xb8;
	[tilespmem:$0x10C00] =	vst v63  }
0x5a: {  	_ =	swait.ge [sflag:s16], $0x4000  }
0x5b: {  	[sflag:s16] =	ssyncset.done $0x0  }
0x5c: {  	s1 =	rddreg [dreg:$0x9];
	[sflag:s16] =	ssyncadd.s32 $0xFFFFC000  }
0x5d: {  	[hbm4b:s1+s2] =	stream.linear.scatter [tilespmem:s10], [sflag:$0x6], $0x4000, $0x38;
	[tilespmem:$0x10C00] =	vst v63  }
0x5e: {  	_ =	swait.ge [sflag:s6], $0x4000  }
0x5f: {  	[sflag:s6] =	ssyncset.done $0x0  }
0x60: {  	[sflag:s6] =	ssyncadd.s32 $0xFFFFC000  }
0x61: {  	[tilespmem:s10], [sflag:$0x2] =	stream.indirect.gather [hbm4b:s3+s12], $0x80, s30, s12, $0xb8;
	[tilespmem:$0x10C00] =	vst v63  }
0x62: {  	_ =	swait.ge [sflag:s14], $0x4000  }
0x63: {  	[sflag:s14] =	ssyncset.done $0x0  }
0x64: {  	s1 =	rddreg [dreg:$0xa];
	[sflag:s14] =	ssyncadd.s32 $0xFFFFC000  }
0x65: {  	[hbm4b:s1+s2] =	stream.linear.scatter [tilespmem:s8], [sflag:$0x7], $0x4000, $0x38;
	[tilespmem:$0x10C00] =	vst v63  }
0x66: {  	_ =	swait.ge [sflag:s7], $0x4000  }
0x67: {  	[sflag:s7] =	ssyncset.done $0x0  }
0x68: {  	[sflag:s7] =	ssyncadd.s32 $0xFFFFC000  }
0x69: {  	[tilespmem:s8], [sflag:$0x3] =	stream.indirect.gather [hbm4b:s3+s12], $0x80, s29, s12, $0xb8;
	[tilespmem:$0x10C00] =	vst v63  }
0x6a: {  	_ =	swait.ge [sflag:s13], $0x4000  }
0x6b: {  	[sflag:s13] =	ssyncset.done $0x0  }
0x6c: {  	s1 =	rddreg [dreg:$0xb];
	[sflag:s13] =	ssyncadd.s32 $0xFFFFC000  }
0x6d: {  	[hbm4b:s1+s2] =	stream.linear.scatter [tilespmem:s4], [sflag:$0x8], $0x4000, $0x38;
	[tilespmem:$0x10C00] =	vst v63  }
0x6e: {  	_ =	swait.ge [sflag:s9], $0x4000  }
0x6f: {  	[sflag:s9] =	ssyncset.done $0x0  }
0x70: {  	[sflag:s9] =	ssyncadd.s32 $0xFFFFC000  }
0x71: {  	[tilespmem:s4], [sflag:$0x4] =	stream.indirect.gather [hbm4b:s3+s12], $0x80, s28, s12, $0xb8;
	[tilespmem:$0x10C00] =	vst v63  }
0x72: {  	_ =	swait.ge [sflag:s15], $0x4000  }
0x73: {  	[sflag:s15] =	ssyncset.done $0x0  }
0x74: {  	s1 =	rddreg [dreg:$0xc];
	[sflag:s15] =	ssyncadd.s32 $0xFFFFC000  }
0x75: {  	[hbm4b:s1+s2] =	stream.linear.scatter [tilespmem:s11], [sflag:$0x5], $0x4000, $0x38;
	[tilespmem:$0x10C00] =	vst v63  }
0x76: {  	_ =	swait.ge [sflag:s5], $0x4000  }
0x77: {  	[sflag:s5] =	ssyncset.done $0x0  }
0x78: {  	[sflag:s5] =	ssyncadd.s32 $0xFFFFC000  }
0x79: {  	[tilespmem:s11], [sflag:$0x1] =	stream.indirect.gather [hbm4b:s3+s12], $0x80, s26, s12, $0xb8;
	[tilespmem:$0x10C00] =	vst v63  }
0x7a: {  	_ =	swait.ge [sflag:s16], $0x4000  }
0x7b: {  	[sflag:s16] =	ssyncset.done $0x0  }
0x7c: {  	s1 =	rddreg [dreg:$0xd];
	[sflag:s16] =	ssyncadd.s32 $0xFFFFC000  }
0x7d: {  	[hbm4b:s1+s2] =	stream.linear.scatter [tilespmem:s10], [sflag:$0x6], $0x4000, $0x38;
	[tilespmem:$0x10C00] =	vst v63  }
0x7e: {  	_ =	swait.ge [sflag:s6], $0x4000  }
0x7f: {  	[sflag:s6] =	ssyncset.done $0x0  }
0x80: {  	[sflag:s6] =	ssyncadd.s32 $0xFFFFC000  }
0x81: {  	[tilespmem:s10], [sflag:$0x2] =	stream.indirect.gather [hbm4b:s3+s12], $0x80, s24, s12, $0xb8;
	[tilespmem:$0x10C00] =	vst v63  }
0x82: {  	_ =	swait.ge [sflag:s14], $0x4000  }
0x83: {  	[sflag:s14] =	ssyncset.done $0x0  }
0x84: {  	s1 =	rddreg [dreg:$0xe];
	[sflag:s14] =	ssyncadd.s32 $0xFFFFC000  }
0x85: {  	[hbm4b:s1+s2] =	stream.linear.scatter [tilespmem:s8], [sflag:$0x7], $0x4000, $0x38;
	[tilespmem:$0x10C00] =	vst v63  }
0x86: {  	_ =	swait.ge [sflag:s7], $0x4000  }
0x87: {  	[sflag:s7] =	ssyncset.done $0x0  }
0x88: {  	[sflag:s7] =	ssyncadd.s32 $0xFFFFC000  }
0x89: {  	[tilespmem:s8], [sflag:$0x3] =	stream.indirect.gather [hbm4b:s3+s12], $0x80, s23, s12, $0xb8;
	[tilespmem:$0x10C00] =	vst v63  }
0x8a: {  	_ =	swait.ge [sflag:s13], $0x4000  }
0x8b: {  	[sflag:s13] =	ssyncset.done $0x0  }
0x8c: {  	s1 =	rddreg [dreg:$0xf];
	[sflag:s13] =	ssyncadd.s32 $0xFFFFC000  }
0x8d: {  	[hbm4b:s1+s2] =	stream.linear.scatter [tilespmem:s4], [sflag:$0x8], $0x4000, $0x38;
	[tilespmem:$0x10C00] =	vst v63  }
0x8e: {  	_ =	swait.ge [sflag:s9], $0x4000  }
0x8f: {  	[sflag:s9] =	ssyncset.done $0x0  }
0x90: {  	[sflag:s9] =	ssyncadd.s32 $0xFFFFC000  }
0x91: {  	[tilespmem:s4], [sflag:$0x4] =	stream.indirect.gather [hbm4b:s3+s12], $0x80, s22, s12, $0xb8;
	[tilespmem:$0x10C00] =	vst v63  }
0x92: {  	_ =	swait.ge [sflag:s15], $0x4000  }
0x93: {  	[sflag:s15] =	ssyncset.done $0x0  }
0x94: {  	s1 =	rddreg [dreg:$0x10];
	[sflag:s15] =	ssyncadd.s32 $0xFFFFC000  }
0x95: {  	[hbm4b:s1+s2] =	stream.linear.scatter [tilespmem:s11], [sflag:$0x5], $0x4000, $0x38;
	[tilespmem:$0x10C00] =	vst v63  }
0x96: {  	_ =	swait.ge [sflag:s5], $0x4000  }
0x97: {  	[sflag:s5] =	ssyncset.done $0x0  }
0x98: {  	[sflag:s5] =	ssyncadd.s32 $0xFFFFC000  }
0x99: {  	[tilespmem:s11], [sflag:$0x1] =	stream.indirect.gather [hbm4b:s3+s12], $0x80, s21, s12, $0xb8;
	[tilespmem:$0x10C00] =	vst v63  }
0x9a: {  	_ =	swait.ge [sflag:s16], $0x4000  }
0x9b: {  	[sflag:s16] =	ssyncset.done $0x0  }
0x9c: {  	s1 =	rddreg [dreg:$0x11];
	[sflag:s16] =	ssyncadd.s32 $0xFFFFC000  }
0x9d: {  	[hbm4b:s1+s2] =	stream.linear.scatter [tilespmem:s10], [sflag:$0x6], $0x4000, $0x38;
	[tilespmem:$0x10C00] =	vst v63  }
0x9e: {  	_ =	swait.ge [sflag:s6], $0x4000  }
0x9f: {  	[sflag:s6] =	ssyncset.done $0x0  }
0xa0: {  	[sflag:s6] =	ssyncadd.s32 $0xFFFFC000  }
0xa1: {  	[tilespmem:s10], [sflag:$0x2] =	stream.indirect.gather [hbm4b:s3+s12], $0x80, s20, s12, $0xb8;
	[tilespmem:$0x10C00] =	vst v63  }
0xa2: {  	_ =	swait.ge [sflag:s14], $0x4000  }
0xa3: {  	[sflag:s14] =	ssyncset.done $0x0  }
0xa4: {  	s1 =	rddreg [dreg:$0x12];
	[sflag:s14] =	ssyncadd.s32 $0xFFFFC000  }
0xa5: {  	[hbm4b:s1+s2] =	stream.linear.scatter [tilespmem:s8], [sflag:$0x7], $0x4000, $0x38;
	[tilespmem:$0x10C00] =	vst v63  }
0xa6: {  	_ =	swait.ge [sflag:s7], $0x4000  }
0xa7: {  	[sflag:s7] =	ssyncset.done $0x0  }
0xa8: {  	[sflag:s7] =	ssyncadd.s32 $0xFFFFC000  }
0xa9: {  	[tilespmem:s8], [sflag:$0x3] =	stream.indirect.gather [hbm4b:s3+s12], $0x80, s19, s12, $0xb8;
	[tilespmem:$0x10C00] =	vst v63  }
0xaa: {  	_ =	swait.ge [sflag:s13], $0x4000  }
0xab: {  	[sflag:s13] =	ssyncset.done $0x0  }
0xac: {  	s1 =	rddreg [dreg:$0x13];
	[sflag:s13] =	ssyncadd.s32 $0xFFFFC000  }
0xad: {  	[hbm4b:s1+s2] =	stream.linear.scatter [tilespmem:s4], [sflag:$0x8], $0x4000, $0x38;
	[tilespmem:$0x10C00] =	vst v63  }
0xae: {  	_ =	swait.ge [sflag:s9], $0x4000  }
0xaf: {  	[sflag:s9] =	ssyncset.done $0x0  }
0xb0: {  	[sflag:s9] =	ssyncadd.s32 $0xFFFFC000  }
0xb1: {  	[tilespmem:s4], [sflag:$0x4] =	stream.indirect.gather [hbm4b:s3+s12], $0x80, s18, s12, $0xb8;
	[tilespmem:$0x10C00] =	vst v63  }
0xb2: {  	_ =	swait.ge [sflag:s15], $0x4000  }
0xb3: {  	[sflag:s15] =	ssyncset.done $0x0  }
0xb4: {  	s1 =	rddreg [dreg:$0x14];
	[sflag:s15] =	ssyncadd.s32 $0xFFFFC000  }
0xb5: {  	[hbm4b:s1+s2] =	stream.linear.scatter [tilespmem:s11], [sflag:$0x5], $0x4000, $0x38;
	[tilespmem:$0x10C00] =	vst v63  }
0xb6: {  	_ =	swait.ge [sflag:s16], $0x4000  }
0xb7: {  	[sflag:s16] =	ssyncset.done $0x0  }
0xb8: {  	s1 =	rddreg [dreg:$0x15];
	[sflag:s16] =	ssyncadd.s32 $0xFFFFC000  }
0xb9: {  	[hbm4b:s1+s2] =	stream.linear.scatter [tilespmem:s10], [sflag:$0x6], $0x4000, $0x38;
	[tilespmem:$0x10C00] =	vst v63  }
0xba: {  	_ =	swait.ge [sflag:s14], $0x4000  }
0xbb: {  	[sflag:s14] =	ssyncset.done $0x0  }
0xbc: {  	s1 =	rddreg [dreg:$0x16];
	[sflag:s14] =	ssyncadd.s32 $0xFFFFC000  }
0xbd: {  	[hbm4b:s1+s2] =	stream.linear.scatter [tilespmem:s8], [sflag:$0x7], $0x4000, $0x38;
	[tilespmem:$0x10C00] =	vst v63  }
0xbe: {  	_ =	swait.ge [sflag:s13], $0x4000  }
0xbf: {  	[sflag:s13] =	ssyncset.done $0x0  }
0xc0: {  	s1 =	rddreg [dreg:$0x17];
	[sflag:s13] =	ssyncadd.s32 $0xFFFFC000  }
0xc1: {  	[hbm4b:s1+s2] =	stream.linear.scatter [tilespmem:s4], [sflag:$0x8], $0x4000, $0x38;
	[tilespmem:$0x10C00] =	vst v63  }
0xc2: {  	_ =	swait.ge [sflag:s5], $0x4000  }
0xc3: {  	[sflag:s5] =	ssyncset.done $0x0  }
0xc4: {  	[sflag:s5] =	ssyncadd.s32 $0xFFFFC000  }
0xc5: {  	_ =	swait.ge [sflag:s6], $0x4000  }
0xc6: {  	[sflag:s6] =	ssyncset.done $0x0  }
0xc7: {  	p1 =	sne.s32 s17, $0x1;
	[sflag:s6] =	ssyncadd.s32 $0xFFFFC000  }
.Ltmp1:
0xc8: {  	_ =	swait.ge [sflag:s7], $0x4000;
	(pc) =	sbr.rel @!p1 .LBB2_3-.Ltmp1, $4  }
0xc9: {  	[sflag:s7] =	ssyncset.done $0x0  }
0xca: {  	[sflag:s7] =	ssyncadd.s32 $0xFFFFC000  }
0xcb: {  	p0 =	por $0x1, $0x1;
	_ =	swait.ge [sflag:s9], $0x4000  }
0xcc: {  	s1 =	sadd.s32 $0xFFFFFFFF, s17;
	s0 =	rddreg [dreg:$0x4];
	[sflag:s9] =	ssyncset.done $0x0  }
.LBB2_4:
0xcd: {  	[sflag:s9] =	ssyncadd.s32 $0xFFFFC000  }
0xce: {  	[tilespmem:s2], [sflag:$0x9] =	stream.linear.gather [hbm4b:s0+s2], $0xA00, $0x38;
	[tilespmem:$0x10C00] =	vst v63  }
0xcf: {  	_ =	swait.ge [sflag:s31], $0xA00  }
0xd0: {  	[sflag:s31] =	ssyncset.done $0x0  }
0xd1: {  	[sflag:s31] =	ssyncadd.s32 $0xFFFFF600  }
0xd2: {  	[tilespmem:s11], [sflag:$0x1] =	stream.indirect.gather [hbm4b:s3+s12], $0x80, s2, s12, $0xb8;
	[tilespmem:$0x10C00] =	vst v63  }
0xd3: {  	_ = 	snop  }
0xd4: {  	[tilespmem:s10], [sflag:$0x2] =	stream.indirect.gather [hbm4b:s3+s12], $0x80, s12, s12, $0xb8;
	[tilespmem:$0x10C00] =	vst v63  }
0xd5: {  	s0 =	rddreg [dreg:$0x18]  }
0xd6: {  	[tilespmem:s8], [sflag:$0x3] =	stream.indirect.gather [hbm4b:s3+s12], $0x80, s0, s12, $0xb8;
	[tilespmem:$0x10C00] =	vst v63  }
0xd7: {  	s17 =	rddreg [dreg:$0x19]  }
0xd8: {  	[tilespmem:s4], [sflag:$0x4] =	stream.indirect.gather [hbm4b:s3+s12], $0x80, s17, s12, $0xb8;
	[tilespmem:$0x10C00] =	vst v63  }
0xd9: {  	_ =	swait.ge [sflag:s15], $0x4000  }
0xda: {  	[sflag:s15] =	ssyncset.done $0x0  }
0xdb: {  	[sflag:s15] =	ssyncadd.s32 $0xFFFFC000  }
0xdc: {  	[hbm4b:s25+s2] =	stream.linear.scatter [tilespmem:s11], [sflag:$0x5], $0x4000, $0x38;
	[tilespmem:$0x10C00] =	vst v63  }
0xdd: {  	_ =	swait.ge [sflag:s5], $0x4000  }
0xde: {  	[sflag:s5] =	ssyncset.done $0x0  }
0xdf: {  	s17 =	rddreg [dreg:$0x1a];
	[sflag:s5] =	ssyncadd.s32 $0xFFFFC000  }
0xe0: {  	[tilespmem:s11], [sflag:$0x1] =	stream.indirect.gather [hbm4b:s3+s12], $0x80, s17, s12, $0xb8;
	[tilespmem:$0x10C00] =	vst v63  }
0xe1: {  	_ =	swait.ge [sflag:s16], $0x4000  }
0xe2: {  	[sflag:s16] =	ssyncset.done $0x0  }
0xe3: {  	s17 =	rddreg [dreg:$0x5];
	[sflag:s16] =	ssyncadd.s32 $0xFFFFC000  }
0xe4: {  	[hbm4b:s17+s2] =	stream.linear.scatter [tilespmem:s10], [sflag:$0x6], $0x4000, $0x38;
	[tilespmem:$0x10C00] =	vst v63  }
0xe5: {  	_ =	swait.ge [sflag:s6], $0x4000  }
0xe6: {  	[sflag:s6] =	ssyncset.done $0x0  }
0xe7: {  	s17 =	rddreg [dreg:$0x1b];
	[sflag:s6] =	ssyncadd.s32 $0xFFFFC000  }
0xe8: {  	[tilespmem:s10], [sflag:$0x2] =	stream.indirect.gather [hbm4b:s3+s12], $0x80, s17, s12, $0xb8;
	[tilespmem:$0x10C00] =	vst v63  }
0xe9: {  	_ =	swait.ge [sflag:s14], $0x4000  }
0xea: {  	[sflag:s14] =	ssyncset.done $0x0  }
0xeb: {  	s17 =	rddreg [dreg:$0x6];
	[sflag:s14] =	ssyncadd.s32 $0xFFFFC000  }
0xec: {  	[hbm4b:s17+s2] =	stream.linear.scatter [tilespmem:s8], [sflag:$0x7], $0x4000, $0x38;
	[tilespmem:$0x10C00] =	vst v63  }
0xed: {  	_ =	swait.ge [sflag:s7], $0x4000  }
0xee: {  	[sflag:s7] =	ssyncset.done $0x0  }
0xef: {  	s17 =	rddreg [dreg:$0x1c];
	[sflag:s7] =	ssyncadd.s32 $0xFFFFC000  }
0xf0: {  	[tilespmem:s8], [sflag:$0x3] =	stream.indirect.gather [hbm4b:s3+s12], $0x80, s17, s12, $0xb8;
	[tilespmem:$0x10C00] =	vst v63  }
0xf1: {  	_ =	swait.ge [sflag:s13], $0x4000  }
0xf2: {  	[sflag:s13] =	ssyncset.done $0x0  }
0xf3: {  	s17 =	rddreg [dreg:$0x7];
	[sflag:s13] =	ssyncadd.s32 $0xFFFFC000  }
0xf4: {  	[hbm4b:s17+s2] =	stream.linear.scatter [tilespmem:s4], [sflag:$0x8], $0x4000, $0x38;
	[tilespmem:$0x10C00] =	vst v63  }
0xf5: {  	_ =	swait.ge [sflag:s9], $0x4000  }
0xf6: {  	[sflag:s9] =	ssyncset.done $0x0  }
0xf7: {  	s17 =	rddreg [dreg:$0x1d];
	[sflag:s9] =	ssyncadd.s32 $0xFFFFC000  }
0xf8: {  	[tilespmem:s4], [sflag:$0x4] =	stream.indirect.gather [hbm4b:s3+s12], $0x80, s17, s12, $0xb8;
	[tilespmem:$0x10C00] =	vst v63  }
0xf9: {  	_ =	swait.ge [sflag:s15], $0x4000  }
0xfa: {  	[sflag:s15] =	ssyncset.done $0x0  }
0xfb: {  	s17 =	rddreg [dreg:$0x8];
	[sflag:s15] =	ssyncadd.s32 $0xFFFFC000  }
0xfc: {  	[hbm4b:s17+s2] =	stream.linear.scatter [tilespmem:s11], [sflag:$0x5], $0x4000, $0x38;
	[tilespmem:$0x10C00] =	vst v63  }
0xfd: {  	_ =	swait.ge [sflag:s5], $0x4000  }
0xfe: {  	[sflag:s5] =	ssyncset.done $0x0  }
0xff: {  	s17 =	simm.s32 $0x400;
	[sflag:s5] =	ssyncadd.s32 $0xFFFFC000  }
0x100: {  	[tilespmem:s11], [sflag:$0x1] =	stream.indirect.gather [hbm4b:s3+s12], $0x80, s17, s12, $0xb8;
	[tilespmem:$0x10C00] =	vst v63  }
0x101: {  	_ =	swait.ge [sflag:s16], $0x4000  }
0x102: {  	[sflag:s16] =	ssyncset.done $0x0  }
0x103: {  	s17 =	rddreg [dreg:$0x9];
	[sflag:s16] =	ssyncadd.s32 $0xFFFFC000  }
0x104: {  	[hbm4b:s17+s2] =	stream.linear.scatter [tilespmem:s10], [sflag:$0x6], $0x4000, $0x38;
	[tilespmem:$0x10C00] =	vst v63  }
0x105: {  	_ =	swait.ge [sflag:s6], $0x4000  }
0x106: {  	[sflag:s6] =	ssyncset.done $0x0  }
0x107: {  	[sflag:s6] =	ssyncadd.s32 $0xFFFFC000  }
0x108: {  	[tilespmem:s10], [sflag:$0x2] =	stream.indirect.gather [hbm4b:s3+s12], $0x80, s30, s12, $0xb8;
	[tilespmem:$0x10C00] =	vst v63  }
0x109: {  	_ =	swait.ge [sflag:s14], $0x4000  }
0x10a: {  	[sflag:s14] =	ssyncset.done $0x0  }
0x10b: {  	s17 =	rddreg [dreg:$0xa];
	[sflag:s14] =	ssyncadd.s32 $0xFFFFC000  }
0x10c: {  	[hbm4b:s17+s2] =	stream.linear.scatter [tilespmem:s8], [sflag:$0x7], $0x4000, $0x38;
	[tilespmem:$0x10C00] =	vst v63  }
0x10d: {  	_ =	swait.ge [sflag:s7], $0x4000  }
0x10e: {  	[sflag:s7] =	ssyncset.done $0x0  }
0x10f: {  	[sflag:s7] =	ssyncadd.s32 $0xFFFFC000  }
0x110: {  	[tilespmem:s8], [sflag:$0x3] =	stream.indirect.gather [hbm4b:s3+s12], $0x80, s29, s12, $0xb8;
	[tilespmem:$0x10C00] =	vst v63  }
0x111: {  	_ =	swait.ge [sflag:s13], $0x4000  }
0x112: {  	[sflag:s13] =	ssyncset.done $0x0  }
0x113: {  	s17 =	rddreg [dreg:$0xb];
	[sflag:s13] =	ssyncadd.s32 $0xFFFFC000  }
0x114: {  	[hbm4b:s17+s2] =	stream.linear.scatter [tilespmem:s4], [sflag:$0x8], $0x4000, $0x38;
	[tilespmem:$0x10C00] =	vst v63  }
0x115: {  	_ =	swait.ge [sflag:s9], $0x4000  }
0x116: {  	[sflag:s9] =	ssyncset.done $0x0  }
0x117: {  	[sflag:s9] =	ssyncadd.s32 $0xFFFFC000  }
0x118: {  	[tilespmem:s4], [sflag:$0x4] =	stream.indirect.gather [hbm4b:s3+s12], $0x80, s28, s12, $0xb8;
	[tilespmem:$0x10C00] =	vst v63  }
0x119: {  	_ =	swait.ge [sflag:s15], $0x4000  }
0x11a: {  	[sflag:s15] =	ssyncset.done $0x0  }
0x11b: {  	s17 =	rddreg [dreg:$0xc];
	[sflag:s15] =	ssyncadd.s32 $0xFFFFC000  }
0x11c: {  	[hbm4b:s17+s2] =	stream.linear.scatter [tilespmem:s11], [sflag:$0x5], $0x4000, $0x38;
	[tilespmem:$0x10C00] =	vst v63  }
0x11d: {  	_ =	swait.ge [sflag:s5], $0x4000  }
0x11e: {  	[sflag:s5] =	ssyncset.done $0x0  }
0x11f: {  	[sflag:s5] =	ssyncadd.s32 $0xFFFFC000  }
0x120: {  	[tilespmem:s11], [sflag:$0x1] =	stream.indirect.gather [hbm4b:s3+s12], $0x80, s26, s12, $0xb8;
	[tilespmem:$0x10C00] =	vst v63  }
0x121: {  	_ =	swait.ge [sflag:s16], $0x4000  }
0x122: {  	[sflag:s16] =	ssyncset.done $0x0  }
0x123: {  	s17 =	rddreg [dreg:$0xd];
	[sflag:s16] =	ssyncadd.s32 $0xFFFFC000  }
0x124: {  	[hbm4b:s17+s2] =	stream.linear.scatter [tilespmem:s10], [sflag:$0x6], $0x4000, $0x38;
	[tilespmem:$0x10C00] =	vst v63  }
0x125: {  	_ =	swait.ge [sflag:s6], $0x4000  }
0x126: {  	[sflag:s6] =	ssyncset.done $0x0  }
0x127: {  	[sflag:s6] =	ssyncadd.s32 $0xFFFFC000  }
0x128: {  	[tilespmem:s10], [sflag:$0x2] =	stream.indirect.gather [hbm4b:s3+s12], $0x80, s24, s12, $0xb8;
	[tilespmem:$0x10C00] =	vst v63  }
0x129: {  	_ =	swait.ge [sflag:s14], $0x4000  }
0x12a: {  	[sflag:s14] =	ssyncset.done $0x0  }
0x12b: {  	s17 =	rddreg [dreg:$0xe];
	[sflag:s14] =	ssyncadd.s32 $0xFFFFC000  }
0x12c: {  	[hbm4b:s17+s2] =	stream.linear.scatter [tilespmem:s8], [sflag:$0x7], $0x4000, $0x38;
	[tilespmem:$0x10C00] =	vst v63  }
0x12d: {  	_ =	swait.ge [sflag:s7], $0x4000  }
0x12e: {  	[sflag:s7] =	ssyncset.done $0x0  }
0x12f: {  	[sflag:s7] =	ssyncadd.s32 $0xFFFFC000  }
0x130: {  	[tilespmem:s8], [sflag:$0x3] =	stream.indirect.gather [hbm4b:s3+s12], $0x80, s23, s12, $0xb8;
	[tilespmem:$0x10C00] =	vst v63  }
0x131: {  	_ =	swait.ge [sflag:s13], $0x4000  }
0x132: {  	[sflag:s13] =	ssyncset.done $0x0  }
0x133: {  	s17 =	rddreg [dreg:$0xf];
	[sflag:s13] =	ssyncadd.s32 $0xFFFFC000  }
0x134: {  	[hbm4b:s17+s2] =	stream.linear.scatter [tilespmem:s4], [sflag:$0x8], $0x4000, $0x38;
	[tilespmem:$0x10C00] =	vst v63  }
0x135: {  	_ =	swait.ge [sflag:s9], $0x4000  }
0x136: {  	[sflag:s9] =	ssyncset.done $0x0  }
0x137: {  	[sflag:s9] =	ssyncadd.s32 $0xFFFFC000  }
0x138: {  	[tilespmem:s4], [sflag:$0x4] =	stream.indirect.gather [hbm4b:s3+s12], $0x80, s22, s12, $0xb8;
	[tilespmem:$0x10C00] =	vst v63  }
0x139: {  	_ =	swait.ge [sflag:s15], $0x4000  }
0x13a: {  	[sflag:s15] =	ssyncset.done $0x0  }
0x13b: {  	s17 =	rddreg [dreg:$0x10];
	[sflag:s15] =	ssyncadd.s32 $0xFFFFC000  }
0x13c: {  	[hbm4b:s17+s2] =	stream.linear.scatter [tilespmem:s11], [sflag:$0x5], $0x4000, $0x38;
	[tilespmem:$0x10C00] =	vst v63  }
0x13d: {  	_ =	swait.ge [sflag:s5], $0x4000  }
0x13e: {  	[sflag:s5] =	ssyncset.done $0x0  }
0x13f: {  	[sflag:s5] =	ssyncadd.s32 $0xFFFFC000  }
0x140: {  	[tilespmem:s11], [sflag:$0x1] =	stream.indirect.gather [hbm4b:s3+s12], $0x80, s21, s12, $0xb8;
	[tilespmem:$0x10C00] =	vst v63  }
0x141: {  	_ =	swait.ge [sflag:s16], $0x4000  }
0x142: {  	[sflag:s16] =	ssyncset.done $0x0  }
0x143: {  	s17 =	rddreg [dreg:$0x11];
	[sflag:s16] =	ssyncadd.s32 $0xFFFFC000  }
0x144: {  	[hbm4b:s17+s2] =	stream.linear.scatter [tilespmem:s10], [sflag:$0x6], $0x4000, $0x38;
	[tilespmem:$0x10C00] =	vst v63  }
0x145: {  	_ =	swait.ge [sflag:s6], $0x4000  }
0x146: {  	[sflag:s6] =	ssyncset.done $0x0  }
0x147: {  	[sflag:s6] =	ssyncadd.s32 $0xFFFFC000  }
0x148: {  	[tilespmem:s10], [sflag:$0x2] =	stream.indirect.gather [hbm4b:s3+s12], $0x80, s20, s12, $0xb8;
	[tilespmem:$0x10C00] =	vst v63  }
0x149: {  	_ =	swait.ge [sflag:s14], $0x4000  }
0x14a: {  	[sflag:s14] =	ssyncset.done $0x0  }
0x14b: {  	s17 =	rddreg [dreg:$0x12];
	[sflag:s14] =	ssyncadd.s32 $0xFFFFC000  }
0x14c: {  	[hbm4b:s17+s2] =	stream.linear.scatter [tilespmem:s8], [sflag:$0x7], $0x4000, $0x38;
	[tilespmem:$0x10C00] =	vst v63  }
0x14d: {  	_ =	swait.ge [sflag:s7], $0x4000  }
0x14e: {  	[sflag:s7] =	ssyncset.done $0x0  }
0x14f: {  	[sflag:s7] =	ssyncadd.s32 $0xFFFFC000  }
0x150: {  	[tilespmem:s8], [sflag:$0x3] =	stream.indirect.gather [hbm4b:s3+s12], $0x80, s19, s12, $0xb8;
	[tilespmem:$0x10C00] =	vst v63  }
0x151: {  	_ =	swait.ge [sflag:s13], $0x4000  }
0x152: {  	[sflag:s13] =	ssyncset.done $0x0  }
0x153: {  	s17 =	rddreg [dreg:$0x13];
	[sflag:s13] =	ssyncadd.s32 $0xFFFFC000  }
0x154: {  	[hbm4b:s17+s2] =	stream.linear.scatter [tilespmem:s4], [sflag:$0x8], $0x4000, $0x38;
	[tilespmem:$0x10C00] =	vst v63  }
0x155: {  	_ =	swait.ge [sflag:s9], $0x4000  }
0x156: {  	[sflag:s9] =	ssyncset.done $0x0  }
0x157: {  	[sflag:s9] =	ssyncadd.s32 $0xFFFFC000  }
0x158: {  	[tilespmem:s4], [sflag:$0x4] =	stream.indirect.gather [hbm4b:s3+s12], $0x80, s18, s12, $0xb8;
	[tilespmem:$0x10C00] =	vst v63  }
0x159: {  	_ =	swait.ge [sflag:s15], $0x4000  }
0x15a: {  	[sflag:s15] =	ssyncset.done $0x0  }
0x15b: {  	s17 =	rddreg [dreg:$0x14];
	[sflag:s15] =	ssyncadd.s32 $0xFFFFC000  }
0x15c: {  	[hbm4b:s17+s2] =	stream.linear.scatter [tilespmem:s11], [sflag:$0x5], $0x4000, $0x38;
	[tilespmem:$0x10C00] =	vst v63  }
0x15d: {  	_ =	swait.ge [sflag:s16], $0x4000  }
0x15e: {  	[sflag:s16] =	ssyncset.done $0x0  }
0x15f: {  	s17 =	rddreg [dreg:$0x15];
	[sflag:s16] =	ssyncadd.s32 $0xFFFFC000  }
0x160: {  	[hbm4b:s17+s2] =	stream.linear.scatter [tilespmem:s10], [sflag:$0x6], $0x4000, $0x38;
	[tilespmem:$0x10C00] =	vst v63  }
0x161: {  	_ =	swait.ge [sflag:s14], $0x4000  }
0x162: {  	[sflag:s14] =	ssyncset.done $0x0  }
0x163: {  	s17 =	rddreg [dreg:$0x16];
	[sflag:s14] =	ssyncadd.s32 $0xFFFFC000  }
0x164: {  	[hbm4b:s17+s2] =	stream.linear.scatter [tilespmem:s8], [sflag:$0x7], $0x4000, $0x38;
	[tilespmem:$0x10C00] =	vst v63  }
0x165: {  	_ =	swait.ge [sflag:s13], $0x4000  }
0x166: {  	[sflag:s13] =	ssyncset.done $0x0  }
0x167: {  	s17 =	rddreg [dreg:$0x17];
	[sflag:s13] =	ssyncadd.s32 $0xFFFFC000  }
0x168: {  	[hbm4b:s17+s2] =	stream.linear.scatter [tilespmem:s4], [sflag:$0x8], $0x4000, $0x38;
	[tilespmem:$0x10C00] =	vst v63  }
0x169: {  	_ =	swait.ge [sflag:s5], $0x4000  }
0x16a: {  	[sflag:s5] =	ssyncset.done $0x0  }
0x16b: {  	[sflag:s5] =	ssyncadd.s32 $0xFFFFC000  }
0x16c: {  	_ =	swait.ge [sflag:s6], $0x4000  }
0x16d: {  	[sflag:s6] =	ssyncset.done $0x0  }
0x16e: {  	p1 =	sne.s32 s1, $0x1;
	[sflag:s6] =	ssyncadd.s32 $0xFFFFC000  }
.Ltmp2:
0x16f: {  	_ =	swait.ge [sflag:s7], $0x4000;
	(pc) =	sbr.rel @p1 .LBB2_4-.Ltmp2, $4  }
0x170: {  	[sflag:s7] =	ssyncset.done $0x0  }
0x171: {  	[sflag:s7] =	ssyncadd.s32 $0xFFFFC000  }
0x172: {  	_ =	swait.ge [sflag:s9], $0x4000  }
0x173: {  	s1 =	sadd.s32 $0xFFFFFFFF, s1;
	s0 =	rddreg [dreg:$0x4];
	[sflag:s9] =	ssyncset.done $0x0  }
0x174: {  	s18 =	simm.s32 $0x400;
	s30 =	simm.s32 $0x480;
	s29 =	simm.s32 $0x500  }
0x175: {  	s28 =	simm.s32 $0x580;
	s26 =	simm.s32 $0x600;
	s24 =	simm.s32 $0x680  }
0x176: {  	s23 =	simm.s32 $0x700;
	s22 =	simm.s32 $0x780;
	s21 =	simm.s32 $0x800  }
0x177: {  	s20 =	simm.s32 $0x880;
	s19 =	simm.s32 $0x900;
	s17 =	stileid.u32  }
.LBB2_6:
0x178: {  	[sflag:s9] =	ssyncadd.s32 @p0 $0xFFFFC000  }
0x179: {  	[tilespmem:s2], [sflag:$0x9] =	stream.linear.gather [hbm4b:s0+s2], $0xA00, $0x38;
	[tilespmem:$0x10C00] =	vst v63  }
0x17a: {  	_ =	swait.ge [sflag:s31], $0xA00  }
0x17b: {  	[sflag:s31] =	ssyncset.done $0x0  }
0x17c: {  	[sflag:s31] =	ssyncadd.s32 $0xFFFFF600  }
0x17d: {  	[tilespmem:s11], [sflag:$0x1] =	stream.indirect.gather [hbm4b:s3+s12], $0x80, s2, s12, $0xb8;
	[tilespmem:$0x10C00] =	vst v63  }
0x17e: {  	_ = 	snop  }
0x17f: {  	[tilespmem:s10], [sflag:$0x2] =	stream.indirect.gather [hbm4b:s3+s12], $0x80, s12, s12, $0xb8;
	[tilespmem:$0x10C00] =	vst v63  }
0x180: {  	s31 =	rddreg [dreg:$0x18]  }
0x181: {  	[tilespmem:s8], [sflag:$0x3] =	stream.indirect.gather [hbm4b:s3+s12], $0x80, s31, s12, $0xb8;
	[tilespmem:$0x10C00] =	vst v63  }
0x182: {  	s1 =	rddreg [dreg:$0x19]  }
0x183: {  	[tilespmem:s4], [sflag:$0x4] =	stream.indirect.gather [hbm4b:s3+s12], $0x80, s1, s12, $0xb8;
	[tilespmem:$0x10C00] =	vst v63  }
0x184: {  	_ =	swait.ge [sflag:s15], $0x4000  }
0x185: {  	[sflag:s15] =	ssyncset.done $0x0  }
0x186: {  	[sflag:s15] =	ssyncadd.s32 $0xFFFFC000  }
0x187: {  	[hbm4b:s25+s2] =	stream.linear.scatter [tilespmem:s11], [sflag:$0x5], $0x4000, $0x38;
	[tilespmem:$0x10C00] =	vst v63  }
0x188: {  	_ =	swait.ge [sflag:s5], $0x4000  }
0x189: {  	[sflag:s5] =	ssyncset.done $0x0  }
0x18a: {  	s31 =	rddreg [dreg:$0x1a];
	[sflag:s5] =	ssyncadd.s32 $0xFFFFC000  }
0x18b: {  	[tilespmem:s11], [sflag:$0x1] =	stream.indirect.gather [hbm4b:s3+s12], $0x80, s31, s12, $0xb8;
	[tilespmem:$0x10C00] =	vst v63  }
0x18c: {  	_ =	swait.ge [sflag:s16], $0x4000  }
0x18d: {  	[sflag:s16] =	ssyncset.done $0x0  }
0x18e: {  	s1 =	rddreg [dreg:$0x5];
	[sflag:s16] =	ssyncadd.s32 $0xFFFFC000  }
0x18f: {  	[hbm4b:s1+s2] =	stream.linear.scatter [tilespmem:s10], [sflag:$0x6], $0x4000, $0x38;
	[tilespmem:$0x10C00] =	vst v63  }
0x190: {  	_ =	swait.ge [sflag:s6], $0x4000  }
0x191: {  	[sflag:s6] =	ssyncset.done $0x0  }
0x192: {  	s25 =	rddreg [dreg:$0x1b];
	[sflag:s6] =	ssyncadd.s32 $0xFFFFC000  }
0x193: {  	[tilespmem:s10], [sflag:$0x2] =	stream.indirect.gather [hbm4b:s3+s12], $0x80, s25, s12, $0xb8;
	[tilespmem:$0x10C00] =	vst v63  }
0x194: {  	_ =	swait.ge [sflag:s14], $0x4000  }
0x195: {  	[sflag:s14] =	ssyncset.done $0x0  }
0x196: {  	s31 =	rddreg [dreg:$0x6];
	[sflag:s14] =	ssyncadd.s32 $0xFFFFC000  }
0x197: {  	[hbm4b:s31+s2] =	stream.linear.scatter [tilespmem:s8], [sflag:$0x7], $0x4000, $0x38;
	[tilespmem:$0x10C00] =	vst v63  }
0x198: {  	_ =	swait.ge [sflag:s7], $0x4000  }
0x199: {  	[sflag:s7] =	ssyncset.done $0x0  }
0x19a: {  	s1 =	rddreg [dreg:$0x1c];
	[sflag:s7] =	ssyncadd.s32 $0xFFFFC000  }
0x19b: {  	[tilespmem:s8], [sflag:$0x3] =	stream.indirect.gather [hbm4b:s3+s12], $0x80, s1, s12, $0xb8;
	[tilespmem:$0x10C00] =	vst v63  }
0x19c: {  	_ =	swait.ge [sflag:s13], $0x4000  }
0x19d: {  	[sflag:s13] =	ssyncset.done $0x0  }
0x19e: {  	s25 =	rddreg [dreg:$0x7];
	[sflag:s13] =	ssyncadd.s32 $0xFFFFC000  }
0x19f: {  	[hbm4b:s25+s2] =	stream.linear.scatter [tilespmem:s4], [sflag:$0x8], $0x4000, $0x38;
	[tilespmem:$0x10C00] =	vst v63  }
0x1a0: {  	_ =	swait.ge [sflag:s9], $0x4000  }
0x1a1: {  	[sflag:s9] =	ssyncset.done $0x0  }
0x1a2: {  	s31 =	rddreg [dreg:$0x1d];
	[sflag:s9] =	ssyncadd.s32 $0xFFFFC000  }
0x1a3: {  	[tilespmem:s4], [sflag:$0x4] =	stream.indirect.gather [hbm4b:s3+s12], $0x80, s31, s12, $0xb8;
	[tilespmem:$0x10C00] =	vst v63  }
0x1a4: {  	_ =	swait.ge [sflag:s15], $0x4000  }
0x1a5: {  	[sflag:s15] =	ssyncset.done $0x0  }
0x1a6: {  	s1 =	rddreg [dreg:$0x8];
	[sflag:s15] =	ssyncadd.s32 $0xFFFFC000  }
0x1a7: {  	[hbm4b:s1+s2] =	stream.linear.scatter [tilespmem:s11], [sflag:$0x5], $0x4000, $0x38;
	[tilespmem:$0x10C00] =	vst v63  }
0x1a8: {  	_ =	swait.ge [sflag:s5], $0x4000  }
0x1a9: {  	[sflag:s5] =	ssyncset.done $0x0  }
0x1aa: {  	[sflag:s5] =	ssyncadd.s32 $0xFFFFC000  }
0x1ab: {  	[tilespmem:s11], [sflag:$0x1] =	stream.indirect.gather [hbm4b:s3+s12], $0x80, s18, s12, $0xb8;
	[tilespmem:$0x10C00] =	vst v63  }
0x1ac: {  	_ =	swait.ge [sflag:s16], $0x4000  }
0x1ad: {  	[sflag:s16] =	ssyncset.done $0x0  }
0x1ae: {  	s18 =	rddreg [dreg:$0x9];
	[sflag:s16] =	ssyncadd.s32 $0xFFFFC000  }
0x1af: {  	[hbm4b:s18+s2] =	stream.linear.scatter [tilespmem:s10], [sflag:$0x6], $0x4000, $0x38;
	[tilespmem:$0x10C00] =	vst v63  }
0x1b0: {  	_ =	swait.ge [sflag:s6], $0x4000  }
0x1b1: {  	[sflag:s6] =	ssyncset.done $0x0  }
0x1b2: {  	[sflag:s6] =	ssyncadd.s32 $0xFFFFC000  }
0x1b3: {  	[tilespmem:s10], [sflag:$0x2] =	stream.indirect.gather [hbm4b:s3+s12], $0x80, s30, s12, $0xb8;
	[tilespmem:$0x10C00] =	vst v63  }
0x1b4: {  	_ =	swait.ge [sflag:s14], $0x4000  }
0x1b5: {  	[sflag:s14] =	ssyncset.done $0x0  }
0x1b6: {  	s25 =	rddreg [dreg:$0xa];
	[sflag:s14] =	ssyncadd.s32 $0xFFFFC000  }
0x1b7: {  	[hbm4b:s25+s2] =	stream.linear.scatter [tilespmem:s8], [sflag:$0x7], $0x4000, $0x38;
	[tilespmem:$0x10C00] =	vst v63  }
0x1b8: {  	_ =	swait.ge [sflag:s7], $0x4000  }
0x1b9: {  	[sflag:s7] =	ssyncset.done $0x0  }
0x1ba: {  	[sflag:s7] =	ssyncadd.s32 $0xFFFFC000  }
0x1bb: {  	[tilespmem:s8], [sflag:$0x3] =	stream.indirect.gather [hbm4b:s3+s12], $0x80, s29, s12, $0xb8;
	[tilespmem:$0x10C00] =	vst v63  }
0x1bc: {  	_ =	swait.ge [sflag:s13], $0x4000  }
0x1bd: {  	[sflag:s13] =	ssyncset.done $0x0  }
0x1be: {  	s29 =	rddreg [dreg:$0xb];
	[sflag:s13] =	ssyncadd.s32 $0xFFFFC000  }
0x1bf: {  	[hbm4b:s29+s2] =	stream.linear.scatter [tilespmem:s4], [sflag:$0x8], $0x4000, $0x38;
	[tilespmem:$0x10C00] =	vst v63  }
0x1c0: {  	_ =	swait.ge [sflag:s9], $0x4000  }
0x1c1: {  	[sflag:s9] =	ssyncset.done $0x0  }
0x1c2: {  	[sflag:s9] =	ssyncadd.s32 $0xFFFFC000  }
0x1c3: {  	[tilespmem:s4], [sflag:$0x4] =	stream.indirect.gather [hbm4b:s3+s12], $0x80, s28, s12, $0xb8;
	[tilespmem:$0x10C00] =	vst v63  }
0x1c4: {  	_ =	swait.ge [sflag:s15], $0x4000  }
0x1c5: {  	[sflag:s15] =	ssyncset.done $0x0  }
0x1c6: {  	s30 =	rddreg [dreg:$0xc];
	[sflag:s15] =	ssyncadd.s32 $0xFFFFC000  }
0x1c7: {  	[hbm4b:s30+s2] =	stream.linear.scatter [tilespmem:s11], [sflag:$0x5], $0x4000, $0x38;
	[tilespmem:$0x10C00] =	vst v63  }
0x1c8: {  	_ =	swait.ge [sflag:s5], $0x4000  }
0x1c9: {  	[sflag:s5] =	ssyncset.done $0x0  }
0x1ca: {  	[sflag:s5] =	ssyncadd.s32 $0xFFFFC000  }
0x1cb: {  	[tilespmem:s11], [sflag:$0x1] =	stream.indirect.gather [hbm4b:s3+s12], $0x80, s26, s12, $0xb8;
	[tilespmem:$0x10C00] =	vst v63  }
0x1cc: {  	_ =	swait.ge [sflag:s16], $0x4000  }
0x1cd: {  	[sflag:s16] =	ssyncset.done $0x0  }
0x1ce: {  	s31 =	rddreg [dreg:$0xd];
	[sflag:s16] =	ssyncadd.s32 $0xFFFFC000  }
0x1cf: {  	[hbm4b:s31+s2] =	stream.linear.scatter [tilespmem:s10], [sflag:$0x6], $0x4000, $0x38;
	[tilespmem:$0x10C00] =	vst v63  }
0x1d0: {  	_ =	swait.ge [sflag:s6], $0x4000  }
0x1d1: {  	[sflag:s6] =	ssyncset.done $0x0  }
0x1d2: {  	[sflag:s6] =	ssyncadd.s32 $0xFFFFC000  }
0x1d3: {  	[tilespmem:s10], [sflag:$0x2] =	stream.indirect.gather [hbm4b:s3+s12], $0x80, s24, s12, $0xb8;
	[tilespmem:$0x10C00] =	vst v63  }
0x1d4: {  	_ =	swait.ge [sflag:s14], $0x4000  }
0x1d5: {  	[sflag:s14] =	ssyncset.done $0x0  }
0x1d6: {  	s1 =	rddreg [dreg:$0xe];
	[sflag:s14] =	ssyncadd.s32 $0xFFFFC000  }
0x1d7: {  	[hbm4b:s1+s2] =	stream.linear.scatter [tilespmem:s8], [sflag:$0x7], $0x4000, $0x38;
	[tilespmem:$0x10C00] =	vst v63  }
0x1d8: {  	_ =	swait.ge [sflag:s7], $0x4000  }
0x1d9: {  	[sflag:s7] =	ssyncset.done $0x0  }
0x1da: {  	[sflag:s7] =	ssyncadd.s32 $0xFFFFC000  }
0x1db: {  	[tilespmem:s8], [sflag:$0x3] =	stream.indirect.gather [hbm4b:s3+s12], $0x80, s23, s12, $0xb8;
	[tilespmem:$0x10C00] =	vst v63  }
0x1dc: {  	_ =	swait.ge [sflag:s13], $0x4000  }
0x1dd: {  	[sflag:s13] =	ssyncset.done $0x0  }
0x1de: {  	s18 =	rddreg [dreg:$0xf];
	[sflag:s13] =	ssyncadd.s32 $0xFFFFC000  }
0x1df: {  	[hbm4b:s18+s2] =	stream.linear.scatter [tilespmem:s4], [sflag:$0x8], $0x4000, $0x38;
	[tilespmem:$0x10C00] =	vst v63  }
0x1e0: {  	_ =	swait.ge [sflag:s9], $0x4000  }
0x1e1: {  	[sflag:s9] =	ssyncset.done $0x0  }
0x1e2: {  	[sflag:s9] =	ssyncadd.s32 $0xFFFFC000  }
0x1e3: {  	[tilespmem:s4], [sflag:$0x4] =	stream.indirect.gather [hbm4b:s3+s12], $0x80, s22, s12, $0xb8;
	[tilespmem:$0x10C00] =	vst v63  }
0x1e4: {  	_ =	swait.ge [sflag:s15], $0x4000  }
0x1e5: {  	[sflag:s15] =	ssyncset.done $0x0  }
0x1e6: {  	s22 =	rddreg [dreg:$0x10];
	[sflag:s15] =	ssyncadd.s32 $0xFFFFC000  }
0x1e7: {  	[hbm4b:s22+s2] =	stream.linear.scatter [tilespmem:s11], [sflag:$0x5], $0x4000, $0x38;
	[tilespmem:$0x10C00] =	vst v63  }
0x1e8: {  	_ =	swait.ge [sflag:s5], $0x4000  }
0x1e9: {  	[sflag:s5] =	ssyncset.done $0x0  }
0x1ea: {  	[sflag:s5] =	ssyncadd.s32 $0xFFFFC000  }
0x1eb: {  	[tilespmem:s11], [sflag:$0x1] =	stream.indirect.gather [hbm4b:s3+s12], $0x80, s21, s12, $0xb8;
	[tilespmem:$0x10C00] =	vst v63  }
0x1ec: {  	_ =	swait.ge [sflag:s16], $0x4000  }
0x1ed: {  	[sflag:s16] =	ssyncset.done $0x0  }
0x1ee: {  	s23 =	rddreg [dreg:$0x11];
	[sflag:s16] =	ssyncadd.s32 $0xFFFFC000  }
0x1ef: {  	[hbm4b:s23+s2] =	stream.linear.scatter [tilespmem:s10], [sflag:$0x6], $0x4000, $0x38;
	[tilespmem:$0x10C00] =	vst v63  }
0x1f0: {  	_ =	swait.ge [sflag:s6], $0x4000  }
0x1f1: {  	[sflag:s6] =	ssyncset.done $0x0  }
0x1f2: {  	[sflag:s6] =	ssyncadd.s32 $0xFFFFC000  }
0x1f3: {  	[tilespmem:s10], [sflag:$0x2] =	stream.indirect.gather [hbm4b:s3+s12], $0x80, s20, s12, $0xb8;
	[tilespmem:$0x10C00] =	vst v63  }
0x1f4: {  	_ =	swait.ge [sflag:s14], $0x4000  }
0x1f5: {  	[sflag:s14] =	ssyncset.done $0x0  }
0x1f6: {  	s24 =	rddreg [dreg:$0x12];
	[sflag:s14] =	ssyncadd.s32 $0xFFFFC000  }
0x1f7: {  	[hbm4b:s24+s2] =	stream.linear.scatter [tilespmem:s8], [sflag:$0x7], $0x4000, $0x38;
	[tilespmem:$0x10C00] =	vst v63  }
0x1f8: {  	_ =	swait.ge [sflag:s7], $0x4000  }
0x1f9: {  	[sflag:s7] =	ssyncset.done $0x0  }
0x1fa: {  	[sflag:s7] =	ssyncadd.s32 $0xFFFFC000  }
0x1fb: {  	[tilespmem:s8], [sflag:$0x3] =	stream.indirect.gather [hbm4b:s3+s12], $0x80, s19, s12, $0xb8;
	[tilespmem:$0x10C00] =	vst v63  }
0x1fc: {  	_ =	swait.ge [sflag:s13], $0x4000  }
0x1fd: {  	[sflag:s13] =	ssyncset.done $0x0  }
0x1fe: {  	s25 =	rddreg [dreg:$0x13];
	[sflag:s13] =	ssyncadd.s32 $0xFFFFC000  }
0x1ff: {  	[hbm4b:s25+s2] =	stream.linear.scatter [tilespmem:s4], [sflag:$0x8], $0x4000, $0x38;
	[tilespmem:$0x10C00] =	vst v63  }
0x200: {  	_ =	swait.ge [sflag:s9], $0x4000  }
0x201: {  	[sflag:s9] =	ssyncset.done $0x0  }
0x202: {  	s26 =	simm.s32 $0x980;
	[sflag:s9] =	ssyncadd.s32 $0xFFFFC000  }
0x203: {  	[tilespmem:s4], [sflag:$0x4] =	stream.indirect.gather [hbm4b:s3+s12], $0x80, s26, s12, $0xb8;
	[tilespmem:$0x10C00] =	vst v63  }
0x204: {  	_ =	swait.ge [sflag:s15], $0x4000  }
0x205: {  	[sflag:s15] =	ssyncset.done $0x0  }
0x206: {  	s28 =	rddreg [dreg:$0x14];
	[sflag:s15] =	ssyncadd.s32 $0xFFFFC000  }
0x207: {  	[hbm4b:s28+s2] =	stream.linear.scatter [tilespmem:s11], [sflag:$0x5], $0x4000, $0x38;
	[tilespmem:$0x10C00] =	vst v63  }
0x208: {  	_ =	swait.ge [sflag:s16], $0x4000  }
0x209: {  	[sflag:s16] =	ssyncset.done $0x0  }
0x20a: {  	s29 =	rddreg [dreg:$0x15];
	[sflag:s16] =	ssyncadd.s32 $0xFFFFC000  }
0x20b: {  	[hbm4b:s29+s2] =	stream.linear.scatter [tilespmem:s10], [sflag:$0x6], $0x4000, $0x38;
	[tilespmem:$0x10C00] =	vst v63  }
0x20c: {  	_ =	swait.ge [sflag:s14], $0x4000  }
0x20d: {  	[sflag:s14] =	ssyncset.done $0x0  }
0x20e: {  	s30 =	rddreg [dreg:$0x16];
	[sflag:s14] =	ssyncadd.s32 $0xFFFFC000  }
0x20f: {  	[hbm4b:s30+s2] =	stream.linear.scatter [tilespmem:s8], [sflag:$0x7], $0x4000, $0x38;
	[tilespmem:$0x10C00] =	vst v63  }
0x210: {  	_ =	swait.ge [sflag:s13], $0x4000  }
0x211: {  	[sflag:s13] =	ssyncset.done $0x0  }
0x212: {  	s31 =	rddreg [dreg:$0x17];
	[sflag:s13] =	ssyncadd.s32 $0xFFFFC000  }
0x213: {  	[hbm4b:s31+s2] =	stream.linear.scatter [tilespmem:s4], [sflag:$0x8], $0x4000, $0x38;
	[tilespmem:$0x10C00] =	vst v63  }
0x214: {  	_ =	swait.ge [sflag:s5], $0x4000  }
0x215: {  	[sflag:s5] =	ssyncset.done $0x0  }
0x216: {  	[sflag:s5] =	ssyncadd.s32 $0xFFFFC000  }
0x217: {  	_ =	swait.ge [sflag:s6], $0x4000  }
0x218: {  	[sflag:s6] =	ssyncset.done $0x0  }
0x219: {  	[sflag:s6] =	ssyncadd.s32 $0xFFFFC000  }
0x21a: {  	_ =	swait.ge [sflag:s7], $0x4000  }
0x21b: {  	[sflag:s7] =	ssyncset.done $0x0  }
0x21c: {  	[sflag:s7] =	ssyncadd.s32 $0xFFFFC000  }
0x21d: {  	_ =	swait.ge [sflag:s9], $0x4000  }
0x21e: {  	[sflag:s9] =	ssyncset.done $0x0  }
0x21f: {  	[sflag:s9] =	ssyncadd.s32 $0xFFFFC000  }
0x220: {  	_ =	sfence.sel $0x180000  }
0x221: {  	[bflag:$0x0] =	sbarrier.arrive $0xFFFF  }
0x222: {  	_ =	strace $0x90000047  }
0x223: {  	[bflag:$0x2] =	sbarrier.arrive $0xFFFF  }
0x224: {  	p0 =	sne.s32 s17, $0x0;
	s0 =	rddreg [dreg:$0x3]  }
0x225: {  	s0 =	sadd.s32 @!p0 $0x100000, s0  }
0x226: {  	[sflag:s0] =	ssyncadd.tile.s32 @!p0 $0x1;
	_ =	shalt  }
.LBB2_1:
.Ltmp3:
0x227: {  	(pc) =	sbr.rel .LBB2_6-.Ltmp3, $4  }
0x228: {  	s18 =	simm.s32 $0x400;
	s30 =	simm.s32 $0x480  }
0x229: {  	s29 =	simm.s32 $0x500;
	s28 =	simm.s32 $0x580;
	s26 =	simm.s32 $0x600  }
0x22a: {  	s24 =	simm.s32 $0x680;
	s23 =	simm.s32 $0x700;
	s22 =	simm.s32 $0x780  }
0x22b: {  	s21 =	simm.s32 $0x800;
	s20 =	simm.s32 $0x880;
	s19 =	simm.s32 $0x900  }
.LBB2_3:
.Ltmp4:
0x22c: {  	(pc) =	sbr.rel .LBB2_6-.Ltmp4, $4  }
0x22d: {  	s18 =	simm.s32 $0x400;
	s30 =	simm.s32 $0x480;
	s29 =	simm.s32 $0x500  }
0x22e: {  	s28 =	simm.s32 $0x580;
	s26 =	simm.s32 $0x600;
	s24 =	simm.s32 $0x680  }
0x22f: {  	s23 =	simm.s32 $0x700;
	s22 =	simm.s32 $0x780;
	s21 =	simm.s32 $0x800  }
0x230: {  	s20 =	simm.s32 $0x880;
	s19 =	simm.s32 $0x900;
	s17 =	stileid.u32  }
.Lfunc_end2:
_tile_overlayer_lowered:
.L_overlay_start_2:
0x231: {  	(tag) =	ssettag $0x2  }
0x232: {  	s0 =	rddreg [dreg:$0x0];
	s2 =	stileid.u32  }
0x233: {  	s1 =	rddreg [dreg:$0x1];
	p0 =	sne.s32 s2, $0x0  }
0x234: {  	s3 =	rddreg [dreg:$0x2];
	[bflag:$0x3] =	sbarrier.arrive $0xFFFF;
	s2 =	simm.s32 @!p0 $0x1C09  }
0x235: {  	[timem:s3], [sflag:s2] =	dma.local @!p0 [hbm:s0], s1  }
0x236: {  	s0 =	simm.s32 @!p0 $0x9  }
0x237: {  	_ =	swait.ge @!p0 [sflag:s0], s1  }
0x238: {  	s1 =	ssub.s32 @!p0 $0x0, s1;
	[sflag:s0] =	ssyncset.done @!p0 $0x0  }
0x239: {  	[sflag:s0] =	ssyncadd.s32 @!p0 s1  }
0x23a: {  	[bflag:$0x3] =	sbarrier.arrive $0xFFFF  }
0x23b: {  	_ =	shalt  }

</sc_bundles>
